<compile_context>
chip_gen: v7x
topology: tpu7x:2x2x1
jax: 0.10.2.dev20260603
libtpu: 0.0.44.dev20260713+nightly
codegen_flags: <defaults>
</compile_context>

<pallas_src>
import functools

import jax
import jax.numpy as jnp
from jax import lax
from jax.experimental import pallas as pl
from jax.experimental.pallas import tpu as pltpu
from jax.experimental.pallas import tpu_sc as plsc

_GS = 128
_LANES = 16
_VPG = _GS // _LANES
_KG = 16
_U = 4


def _sort16(v):
    return lax.sort(v, dimension=0)


def _rev(v):
    return lax.rev(v, (0,))


def _merge(a, b):
    m = len(a)
    c = a + [_rev(b[m - 1 - i]) for i in range(m)]
    stride = m
    while stride >= 1:
        nxt = list(c)
        for base in range(0, 2 * m, 2 * stride):
            for i in range(stride):
                lo, hi = c[base + i], c[base + stride + i]
                nxt[base + i] = jnp.minimum(lo, hi)
                nxt[base + stride + i] = jnp.maximum(lo, hi)
        c = nxt
        stride //= 2
    return [_sort16(v) for v in c]


def _sort_group(vs):
    runs = [[_sort16(v)] for v in vs]
    while len(runs) > 1:
        runs = [_merge(runs[2 * i], runs[2 * i + 1])
                for i in range(len(runs) // 2)]
    return runs[0]


@functools.lru_cache(maxsize=None)
def _build(nbatch, nfeat):
    ngroups = nfeat // _GS
    info = plsc.get_sparse_core_info()
    nc = info.num_cores
    gpw = ngroups // 2
    nch = gpw // _KG
    mesh = plsc.VectorSubcoreMesh(core_axis_name="c", subcore_axis_name="s")

    w = _GS * _KG

    @functools.partial(
        pl.kernel,
        mesh=mesh,
        out_type=jax.ShapeDtypeStruct((nbatch, nfeat), jnp.float32),
        scratch_types=[
            pltpu.VMEM((8, w), jnp.float32),
            pltpu.VMEM((8, w), jnp.float32),
            pltpu.VMEM((8, w), jnp.float32),
            pltpu.VMEM((8, w), jnp.float32),
            pltpu.SemaphoreType.DMA,
            pltpu.SemaphoreType.DMA,
            pltpu.SemaphoreType.DMA,
            pltpu.SemaphoreType.DMA,
        ],
        compiler_params=pltpu.CompilerParams(needs_layout_passes=False),
    )
    def sc_group_sort(x_hbm, out_hbm, ib0, ib1, ob0, ob1, si0, si1, so0, so1):
        wid = lax.axis_index("s") * nc + lax.axis_index("c")
        trow = wid // 2
        ghalf = wid % 2
        r0 = trow * 8
        g0 = ghalf * gpw

        def src(c):
            return x_hbm.at[pl.ds(r0, 8), pl.ds((g0 + c * _KG) * _GS, w)]

        def dst(c):
            return out_hbm.at[pl.ds(r0, 8), pl.ds((g0 + c * _KG) * _GS, w)]

        def compute(ib, ob):
            @plsc.parallel_loop(0, 8 * _KG, step=1, unroll=_U)
            def body(idx):
                br = lax.rem(idx, 8)
                col = (idx // 8) * _GS
                vs = [ib[br, pl.ds(col + j * _LANES, _LANES)]
                      for j in range(_VPG)]
                sv = _sort_group(vs)
                for j in range(_VPG):
                    ob[br, pl.ds(col + j * _LANES, _LANES)] = sv[j]

        pltpu.async_copy(src(0), ib0, si0)
        pltpu.async_copy(src(1), ib1, si1)
        nt = nch // 2

        def pair_body(t, carry):
            c0 = 2 * t

            @pl.when(t > 0)
            def _():
                pltpu.make_async_copy(ob0, dst(c0), so0).wait()
            pltpu.make_async_copy(src(c0), ib0, si0).wait()
            compute(ib0, ob0)
            pltpu.async_copy(ob0, dst(c0), so0)

            @pl.when(t + 1 < nt)
            def _():
                pltpu.async_copy(src(c0 + 2), ib0, si0)

            @pl.when(t > 0)
            def _():
                pltpu.make_async_copy(ob1, dst(c0 + 1), so1).wait()
            pltpu.make_async_copy(src(c0 + 1), ib1, si1).wait()
            compute(ib1, ob1)
            pltpu.async_copy(ob1, dst(c0 + 1), so1)

            @pl.when(t + 1 < nt)
            def _():
                pltpu.async_copy(src(c0 + 3), ib1, si1)

            return carry

        lax.fori_loop(0, nt, pair_body, 0)
        pltpu.make_async_copy(ob0, dst(nch - 2), so0).wait()
        pltpu.make_async_copy(ob1, dst(nch - 1), so1).wait()

    return sc_group_sort


def kernel(x):
    b, f = x.shape
    return _build(b, f)(x)

# --- scband reference (transcript-rebuilt; emitter-appended) ---
"""Pipeline reference for scband-group-sort-25254407700841 (READ-ONLY COPY).

The authoritative reference and input builder live on the scoring server;
editing this copy changes nothing except your own understanding.
"""

import jax, jax.numpy as jnp
import numpy as np

N_GROUPS = 256

def setup_inputs(seed: int = 0) -> dict:
    key = jax.random.key(seed)
    x = jax.random.normal(key, (128, 32768), dtype=jnp.float32)
    return {"x": x}

def reference(x):
    num_features = x.shape[-1]
    if num_features % N_GROUPS:
        raise ValueError(f'number of features({num_features}) needs to be a multiple of n_groups({N_GROUPS})')
    n_per_group = num_features // N_GROUPS
    grouped_x = x.reshape(-1, N_GROUPS, n_per_group)
    sorted_x = jnp.sort(grouped_x, axis=-1)
    sorted_x = sorted_x.reshape(x.shape)
    return sorted_x

if __name__ == "__main__":
    import jax
    _d = setup_inputs()
    print(jax.jit(kernel)(*tuple(_d.values())))

</pallas_src>

<mosaic_0001>
#map = affine_map<(d0, d1) -> (0, 0)>
module attributes {stable_mosaic.version = 14 : i64} {
  func.func @sc_group_sort(%arg0: i32, %arg1: i32, %arg2: memref<128x32768xf32, #tpu.memory_space<hbm>>, %arg3: memref<128x32768xf32, #tpu.memory_space<hbm>>, %arg4: memref<8x2048xf32, #tpu.memory_space<vmem>>, %arg5: memref<8x2048xf32, #tpu.memory_space<vmem>>, %arg6: memref<8x2048xf32, #tpu.memory_space<vmem>>, %arg7: memref<8x2048xf32, #tpu.memory_space<vmem>>, %arg8: memref<!tpu.dma_semaphore, #tpu.memory_space<semaphore_mem>>, %arg9: memref<!tpu.dma_semaphore, #tpu.memory_space<semaphore_mem>>, %arg10: memref<!tpu.dma_semaphore, #tpu.memory_space<semaphore_mem>>, %arg11: memref<!tpu.dma_semaphore, #tpu.memory_space<semaphore_mem>>) attributes {dimension_semantics = [#tpu.dimension_semantics<core_parallel>, #tpu.dimension_semantics<subcore_parallel>], iteration_bounds = array<i64: 2, 16>, scalar_prefetch = 0 : i64, scratch_operands = 8 : i64, tpu.core_type = #tpu.core_type<sc_vector_subcore>, window_params = [{transform_indices = #map}, {transform_indices = #map}]} {
    %mul3A = arith.constant 2 : i32
    %mul3A_0 = arith.muli %arg1, %mul3A : i32
    %add3A = arith.addi %mul3A_0, %arg0 : i32
    %jit3A = arith.constant 2 : i32
    %div3A = arith.divsi %add3A, %jit3A : i32
    %sign3A = arith.constant 0 : i32
    %sign3A_1 = arith.cmpi sgt, %add3A, %sign3A : i32
    %sign3A_2 = arith.extui %sign3A_1 : i1 to i32
    %sign3A_3 = arith.constant 0 : i32
    %sign3A_4 = arith.cmpi slt, %add3A, %sign3A_3 : i32
    %sign3A_5 = arith.extui %sign3A_4 : i1 to i32
    %sign3A_6 = arith.subi %sign3A_2, %sign3A_5 : i32
    %sign3A_7 = arith.constant 0 : i32
    %sign3A_8 = arith.cmpi sgt, %jit3A, %sign3A_7 : i32
    %sign3A_9 = arith.extui %sign3A_8 : i1 to i32
    %sign3A_10 = arith.constant 0 : i32
    %sign3A_11 = arith.cmpi slt, %jit3A, %sign3A_10 : i32
    %sign3A_12 = arith.extui %sign3A_11 : i1 to i32
    %sign3A_13 = arith.subi %sign3A_9, %sign3A_12 : i32
    %ne3A = arith.cmpi ne, %sign3A_6, %sign3A_13 : i32
    %rem3A = arith.remsi %add3A, %jit3A : i32
    %ne3A_14 = arith.constant 0 : i32
    %ne3A_15 = arith.cmpi ne, %rem3A, %ne3A_14 : i32
    %and3A = arith.andi %ne3A, %ne3A_15 : i1
    %sub3A = arith.constant 1 : i32
    %sub3A_16 = arith.subi %div3A, %sub3A : i32
    %select_n3A = arith.select %and3A, %sub3A_16, %div3A : i32
    %jit3A_17 = arith.constant 2 : i32
    %eq3A = arith.constant 0 : i32
    %eq3A_18 = arith.cmpi eq, %jit3A_17, %eq3A : i32
    %jit3A_19 = arith.constant 1 : i32
    %select_n3A_20 = arith.select %eq3A_18, %jit3A_19, %jit3A_17 : i32
    %rem3A_21 = arith.remsi %add3A, %select_n3A_20 : i32
    %ne3A_22 = arith.constant 0 : i32
    %ne3A_23 = arith.cmpi ne, %rem3A_21, %ne3A_22 : i32
    %lt3A = arith.constant 0 : i32
    %lt3A_24 = arith.cmpi slt, %rem3A_21, %lt3A : i32
    %lt3A_25 = arith.constant 0 : i32
    %lt3A_26 = arith.cmpi slt, %select_n3A_20, %lt3A_25 : i32
    %ne3A_27 = arith.xori %lt3A_24, %lt3A_26 : i1
    %and3A_28 = arith.andi %ne3A_27, %ne3A_23 : i1
    %add3A_29 = arith.addi %rem3A_21, %select_n3A_20 : i32
    %select_n3A_30 = arith.select %and3A_28, %add3A_29, %rem3A_21 : i32
    %mul3A_31 = arith.constant 8 : i32
    %mul3A_32 = arith.muli %select_n3A, %mul3A_31 : i32
    %mul3A_33 = arith.constant 128 : i32
    %mul3A_34 = arith.muli %select_n3A_30, %mul3A_33 : i32
    %add3A_35 = arith.constant 0 : i32
    %add3A_36 = arith.addi %mul3A_34, %add3A_35 : i32
    %mul3A_37 = arith.constant 128 : i32
    %mul3A_38 = arith.muli %add3A_36, %mul3A_37 : i32
    %dma_start3A = tpu.memref_slice %arg2[%mul3A_32, %mul3A_38] : memref<128x32768xf32, #tpu.memory_space<hbm>> -> memref<8x2048xf32, #tpu.memory_space<hbm>>
    %dma_start3A_39 = tpu.memref_slice %arg2[%mul3A_32, %mul3A_38] : memref<128x32768xf32, #tpu.memory_space<hbm>> -> memref<8x2048xf32, #tpu.memory_space<hbm>>
    tpu.enqueue_dma source(%dma_start3A_39 : memref<8x2048xf32, #tpu.memory_space<hbm>>) target(%arg4 : memref<8x2048xf32, #tpu.memory_space<vmem>>) target_semaphore(%arg8 : memref<!tpu.dma_semaphore, #tpu.memory_space<semaphore_mem>>)
    %add3A_40 = arith.constant 16 : i32
    %add3A_41 = arith.addi %mul3A_34, %add3A_40 : i32
    %mul3A_42 = arith.constant 128 : i32
    %mul3A_43 = arith.muli %add3A_41, %mul3A_42 : i32
    %dma_start3A_44 = tpu.memref_slice %arg2[%mul3A_32, %mul3A_43] : memref<128x32768xf32, #tpu.memory_space<hbm>> -> memref<8x2048xf32, #tpu.memory_space<hbm>>
    %dma_start3A_45 = tpu.memref_slice %arg2[%mul3A_32, %mul3A_43] : memref<128x32768xf32, #tpu.memory_space<hbm>> -> memref<8x2048xf32, #tpu.memory_space<hbm>>
    tpu.enqueue_dma source(%dma_start3A_45 : memref<8x2048xf32, #tpu.memory_space<hbm>>) target(%arg5 : memref<8x2048xf32, #tpu.memory_space<vmem>>) target_semaphore(%arg9 : memref<!tpu.dma_semaphore, #tpu.memory_space<semaphore_mem>>)
    %scan3A = arith.constant 0 : i32
    %scan3A_46 = arith.constant 0 : i32
    %scan3A_47 = arith.constant 4 : i32
    %scan3A_48 = arith.addi %scan3A_46, %scan3A_47 : i32
    %scan3A_49 = arith.constant 1 : i32
    scf.for %scan3A_62 = %scan3A_46 to %scan3A_48 step %scan3A_49  : i32 {
      %mul3A_63 = arith.constant 2 : i32
      %mul3A_64 = arith.muli %mul3A_63, %scan3A_62 : i32
      %gt3A = arith.constant 0 : i32
      %gt3A_65 = arith.cmpi sgt, %scan3A_62, %gt3A : i32
      %convert_element_type3A = arith.extui %gt3A_65 : i1 to i32
      %cond3A = arith.constant 0 : i32
      %cond3A_66 = arith.cmpi ne, %convert_element_type3A, %cond3A : i32
      scf.if %cond3A_66 {
        %mul3A_123 = arith.constant 16 : i32
        %mul3A_124 = arith.muli %mul3A_64, %mul3A_123 : i32
        %add3A_125 = arith.addi %mul3A_34, %mul3A_124 : i32
        %mul3A_126 = arith.constant 128 : i32
        %mul3A_127 = arith.muli %add3A_125, %mul3A_126 : i32
        %dma_wait3A_128 = tpu.memref_slice %arg3[%mul3A_32, %mul3A_127] : memref<128x32768xf32, #tpu.memory_space<hbm>> -> memref<8x2048xf32, #tpu.memory_space<hbm>>
        %dma_wait3A_129 = tpu.memref_slice %arg3[%mul3A_32, %mul3A_127] : memref<128x32768xf32, #tpu.memory_space<hbm>> -> memref<8x2048xf32, #tpu.memory_space<hbm>>
        tpu.wait_dma2 semaphore(%arg10 : memref<!tpu.dma_semaphore, #tpu.memory_space<semaphore_mem>>) src(%arg6 : memref<8x2048xf32, #tpu.memory_space<vmem>>) dst(%dma_wait3A_129 : memref<8x2048xf32, #tpu.memory_space<hbm>>)
      } else {
      }
      %mul3A_67 = arith.constant 16 : i32
      %mul3A_68 = arith.muli %mul3A_64, %mul3A_67 : i32
      %add3A_69 = arith.addi %mul3A_34, %mul3A_68 : i32
      %mul3A_70 = arith.constant 128 : i32
      %mul3A_71 = arith.muli %add3A_69, %mul3A_70 : i32
      %dma_wait3A_72 = tpu.memref_slice %arg2[%mul3A_32, %mul3A_71] : memref<128x32768xf32, #tpu.memory_space<hbm>> -> memref<8x2048xf32, #tpu.memory_space<hbm>>
      %dma_wait3A_73 = tpu.memref_slice %arg2[%mul3A_32, %mul3A_71] : memref<128x32768xf32, #tpu.memory_space<hbm>> -> memref<8x2048xf32, #tpu.memory_space<hbm>>
      tpu.wait_dma2 semaphore(%arg8 : memref<!tpu.dma_semaphore, #tpu.memory_space<semaphore_mem>>) src(%dma_wait3A_73 : memref<8x2048xf32, #tpu.memory_space<hbm>>) dst(%arg4 : memref<8x2048xf32, #tpu.memory_space<vmem>>)
      %parallel_loop3A = arith.constant 0 : i32
      %parallel_loop3A_74 = arith.constant 128 : i32
      %parallel_loop3A_75 = arith.constant 1 : i32
      scf.for %parallel_loop3A_123 = %parallel_loop3A to %parallel_loop3A_74 step %parallel_loop3A_75  : i32 {
        %parallel_loop3A_124 = arith.constant 8 : i32
        %parallel_loop3A_125 = arith.remsi %parallel_loop3A_123, %parallel_loop3A_124 : i32
        %parallel_loop3A_126 = arith.constant 8 : i32
        %parallel_loop3A_127 = arith.divsi %parallel_loop3A_123, %parallel_loop3A_126 : i32
        %parallel_loop3A_128 = arith.constant 0 : i32
        %parallel_loop3A_129 = arith.cmpi sgt, %parallel_loop3A_123, %parallel_loop3A_128 : i32
        %parallel_loop3A_130 = arith.extui %parallel_loop3A_129 : i1 to i32
        %parallel_loop3A_131 = arith.constant 0 : i32
        %parallel_loop3A_132 = arith.cmpi slt, %parallel_loop3A_123, %parallel_loop3A_131 : i32
        %parallel_loop3A_133 = arith.extui %parallel_loop3A_132 : i1 to i32
        %parallel_loop3A_134 = arith.subi %parallel_loop3A_130, %parallel_loop3A_133 : i32
        %parallel_loop3A_135 = arith.constant 0 : i32
        %parallel_loop3A_136 = arith.cmpi sgt, %parallel_loop3A_126, %parallel_loop3A_135 : i32
        %parallel_loop3A_137 = arith.extui %parallel_loop3A_136 : i1 to i32
        %parallel_loop3A_138 = arith.constant 0 : i32
        %parallel_loop3A_139 = arith.cmpi slt, %parallel_loop3A_126, %parallel_loop3A_138 : i32
        %parallel_loop3A_140 = arith.extui %parallel_loop3A_139 : i1 to i32
        %parallel_loop3A_141 = arith.subi %parallel_loop3A_137, %parallel_loop3A_140 : i32
        %parallel_loop3A_142 = arith.cmpi ne, %parallel_loop3A_134, %parallel_loop3A_141 : i32
        %parallel_loop3A_143 = arith.remsi %parallel_loop3A_123, %parallel_loop3A_126 : i32
        %parallel_loop3A_144 = arith.constant 0 : i32
        %parallel_loop3A_145 = arith.cmpi ne, %parallel_loop3A_143, %parallel_loop3A_144 : i32
        %parallel_loop3A_146 = arith.andi %parallel_loop3A_142, %parallel_loop3A_145 : i1
        %parallel_loop3A_147 = arith.constant 1 : i32
        %parallel_loop3A_148 = arith.subi %parallel_loop3A_127, %parallel_loop3A_147 : i32
        %parallel_loop3A_149 = arith.select %parallel_loop3A_146, %parallel_loop3A_148, %parallel_loop3A_127 : i32
        %parallel_loop3A_150 = arith.constant 128 : i32
        %parallel_loop3A_151 = arith.muli %parallel_loop3A_149, %parallel_loop3A_150 : i32
        %parallel_loop3A_152 = arith.constant 0 : i32
        %parallel_loop3A_153 = arith.addi %parallel_loop3A_151, %parallel_loop3A_152 : i32
        %parallel_loop3A_154 = arith.index_cast %parallel_loop3A_125 : i32 to index
        %parallel_loop3A_155 = arith.index_cast %parallel_loop3A_153 : i32 to index
        %parallel_loop3A_156 = tpu.vector_load %arg4[%parallel_loop3A_154, %parallel_loop3A_155] {strides = array<i32>} : memref<8x2048xf32, #tpu.memory_space<vmem>>, vector<16xf32>,
        %parallel_loop3A_157 = arith.constant 16 : i32
        %parallel_loop3A_158 = arith.addi %parallel_loop3A_151, %parallel_loop3A_157 : i32
        %parallel_loop3A_159 = arith.index_cast %parallel_loop3A_125 : i32 to index
        %parallel_loop3A_160 = arith.index_cast %parallel_loop3A_158 : i32 to index
        %parallel_loop3A_161 = tpu.vector_load %arg4[%parallel_loop3A_159, %parallel_loop3A_160] {strides = array<i32>} : memref<8x2048xf32, #tpu.memory_space<vmem>>, vector<16xf32>,
        %parallel_loop3A_162 = arith.constant 32 : i32
        %parallel_loop3A_163 = arith.addi %parallel_loop3A_151, %parallel_loop3A_162 : i32
        %parallel_loop3A_164 = arith.index_cast %parallel_loop3A_125 : i32 to index
        %parallel_loop3A_165 = arith.index_cast %parallel_loop3A_163 : i32 to index
        %parallel_loop3A_166 = tpu.vector_load %arg4[%parallel_loop3A_164, %parallel_loop3A_165] {strides = array<i32>} : memref<8x2048xf32, #tpu.memory_space<vmem>>, vector<16xf32>,
        %parallel_loop3A_167 = arith.constant 48 : i32
        %parallel_loop3A_168 = arith.addi %parallel_loop3A_151, %parallel_loop3A_167 : i32
        %parallel_loop3A_169 = arith.index_cast %parallel_loop3A_125 : i32 to index
        %parallel_loop3A_170 = arith.index_cast %parallel_loop3A_168 : i32 to index
        %parallel_loop3A_171 = tpu.vector_load %arg4[%parallel_loop3A_169, %parallel_loop3A_170] {strides = array<i32>} : memref<8x2048xf32, #tpu.memory_space<vmem>>, vector<16xf32>,
        %parallel_loop3A_172 = arith.constant 64 : i32
        %parallel_loop3A_173 = arith.addi %parallel_loop3A_151, %parallel_loop3A_172 : i32
        %parallel_loop3A_174 = arith.index_cast %parallel_loop3A_125 : i32 to index
        %parallel_loop3A_175 = arith.index_cast %parallel_loop3A_173 : i32 to index
        %parallel_loop3A_176 = tpu.vector_load %arg4[%parallel_loop3A_174, %parallel_loop3A_175] {strides = array<i32>} : memref<8x2048xf32, #tpu.memory_space<vmem>>, vector<16xf32>,
        %parallel_loop3A_177 = arith.constant 80 : i32
        %parallel_loop3A_178 = arith.addi %parallel_loop3A_151, %parallel_loop3A_177 : i32
        %parallel_loop3A_179 = arith.index_cast %parallel_loop3A_125 : i32 to index
        %parallel_loop3A_180 = arith.index_cast %parallel_loop3A_178 : i32 to index
        %parallel_loop3A_181 = tpu.vector_load %arg4[%parallel_loop3A_179, %parallel_loop3A_180] {strides = array<i32>} : memref<8x2048xf32, #tpu.memory_space<vmem>>, vector<16xf32>,
        %parallel_loop3A_182 = arith.constant 96 : i32
        %parallel_loop3A_183 = arith.addi %parallel_loop3A_151, %parallel_loop3A_182 : i32
        %parallel_loop3A_184 = arith.index_cast %parallel_loop3A_125 : i32 to index
        %parallel_loop3A_185 = arith.index_cast %parallel_loop3A_183 : i32 to index
        %parallel_loop3A_186 = tpu.vector_load %arg4[%parallel_loop3A_184, %parallel_loop3A_185] {strides = array<i32>} : memref<8x2048xf32, #tpu.memory_space<vmem>>, vector<16xf32>,
        %parallel_loop3A_187 = arith.constant 112 : i32
        %parallel_loop3A_188 = arith.addi %parallel_loop3A_151, %parallel_loop3A_187 : i32
        %parallel_loop3A_189 = arith.index_cast %parallel_loop3A_125 : i32 to index
        %parallel_loop3A_190 = arith.index_cast %parallel_loop3A_188 : i32 to index
        %parallel_loop3A_191 = tpu.vector_load %arg4[%parallel_loop3A_189, %parallel_loop3A_190] {strides = array<i32>} : memref<8x2048xf32, #tpu.memory_space<vmem>>, vector<16xf32>,
        %parallel_loop3A_192 = arith.constant dense<true> : vector<16xi1>
        %parallel_loop3A_193, %parallel_loop3A_194, %parallel_loop3A_195 = tpu.sort %parallel_loop3A_156, %parallel_loop3A_156 masked %parallel_loop3A_192 : (vector<16xf32>, vector<16xf32>, vector<16xi1>) -> (vector<16xi1>, vector<16xf32>, vector<16xf32>)
        %parallel_loop3A_196 = arith.constant dense<true> : vector<16xi1>
        %parallel_loop3A_197, %parallel_loop3A_198, %parallel_loop3A_199 = tpu.sort %parallel_loop3A_161, %parallel_loop3A_161 masked %parallel_loop3A_196 : (vector<16xf32>, vector<16xf32>, vector<16xi1>) -> (vector<16xi1>, vector<16xf32>, vector<16xf32>)
        %parallel_loop3A_200 = arith.constant dense<true> : vector<16xi1>
        %parallel_loop3A_201, %parallel_loop3A_202, %parallel_loop3A_203 = tpu.sort %parallel_loop3A_166, %parallel_loop3A_166 masked %parallel_loop3A_200 : (vector<16xf32>, vector<16xf32>, vector<16xi1>) -> (vector<16xi1>, vector<16xf32>, vector<16xf32>)
        %parallel_loop3A_204 = arith.constant dense<true> : vector<16xi1>
        %parallel_loop3A_205, %parallel_loop3A_206, %parallel_loop3A_207 = tpu.sort %parallel_loop3A_171, %parallel_loop3A_171 masked %parallel_loop3A_204 : (vector<16xf32>, vector<16xf32>, vector<16xi1>) -> (vector<16xi1>, vector<16xf32>, vector<16xf32>)
        %parallel_loop3A_208 = arith.constant dense<true> : vector<16xi1>
        %parallel_loop3A_209, %parallel_loop3A_210, %parallel_loop3A_211 = tpu.sort %parallel_loop3A_176, %parallel_loop3A_176 masked %parallel_loop3A_208 : (vector<16xf32>, vector<16xf32>, vector<16xi1>) -> (vector<16xi1>, vector<16xf32>, vector<16xf32>)
        %parallel_loop3A_212 = arith.constant dense<true> : vector<16xi1>
        %parallel_loop3A_213, %parallel_loop3A_214, %parallel_loop3A_215 = tpu.sort %parallel_loop3A_181, %parallel_loop3A_181 masked %parallel_loop3A_212 : (vector<16xf32>, vector<16xf32>, vector<16xi1>) -> (vector<16xi1>, vector<16xf32>, vector<16xf32>)
        %parallel_loop3A_216 = arith.constant dense<true> : vector<16xi1>
        %parallel_loop3A_217, %parallel_loop3A_218, %parallel_loop3A_219 = tpu.sort %parallel_loop3A_186, %parallel_loop3A_186 masked %parallel_loop3A_216 : (vector<16xf32>, vector<16xf32>, vector<16xi1>) -> (vector<16xi1>, vector<16xf32>, vector<16xf32>)
        %parallel_loop3A_220 = arith.constant dense<true> : vector<16xi1>
        %parallel_loop3A_221, %parallel_loop3A_222, %parallel_loop3A_223 = tpu.sort %parallel_loop3A_191, %parallel_loop3A_191 masked %parallel_loop3A_220 : (vector<16xf32>, vector<16xf32>, vector<16xi1>) -> (vector<16xi1>, vector<16xf32>, vector<16xf32>)
        %parallel_loop3A_224 = arith.constant 15 : i32
        %parallel_loop3A_225 = vector.broadcast %parallel_loop3A_224 : i32 to vector<16xi32>
        %parallel_loop3A_226 = tpu.iota {dimensions = array<i32: 0>} : vector<16xi32>
        %parallel_loop3A_227 = arith.subi %parallel_loop3A_225, %parallel_loop3A_226 : vector<16xi32>
        %parallel_loop3A_228 = tpu.dynamic_gather %parallel_loop3A_198[%parallel_loop3A_227] in [0] : vector<16xf32>, vector<16xi32> -> vector<16xf32>
        %parallel_loop3A_229 = arith.minimumf %parallel_loop3A_194, %parallel_loop3A_228 : vector<16xf32>
        %parallel_loop3A_230 = arith.maximumf %parallel_loop3A_194, %parallel_loop3A_228 : vector<16xf32>
        %parallel_loop3A_231 = arith.constant dense<true> : vector<16xi1>
        %parallel_loop3A_232, %parallel_loop3A_233, %parallel_loop3A_234 = tpu.sort %parallel_loop3A_229, %parallel_loop3A_229 masked %parallel_loop3A_231 : (vector<16xf32>, vector<16xf32>, vector<16xi1>) -> (vector<16xi1>, vector<16xf32>, vector<16xf32>)
        %parallel_loop3A_235 = arith.constant dense<true> : vector<16xi1>
        %parallel_loop3A_236, %parallel_loop3A_237, %parallel_loop3A_238 = tpu.sort %parallel_loop3A_230, %parallel_loop3A_230 masked %parallel_loop3A_235 : (vector<16xf32>, vector<16xf32>, vector<16xi1>) -> (vector<16xi1>, vector<16xf32>, vector<16xf32>)
        %parallel_loop3A_239 = arith.constant 15 : i32
        %parallel_loop3A_240 = vector.broadcast %parallel_loop3A_239 : i32 to vector<16xi32>
        %parallel_loop3A_241 = tpu.iota {dimensions = array<i32: 0>} : vector<16xi32>
        %parallel_loop3A_242 = arith.subi %parallel_loop3A_240, %parallel_loop3A_241 : vector<16xi32>
        %parallel_loop3A_243 = tpu.dynamic_gather %parallel_loop3A_206[%parallel_loop3A_242] in [0] : vector<16xf32>, vector<16xi32> -> vector<16xf32>
        %parallel_loop3A_244 = arith.minimumf %parallel_loop3A_202, %parallel_loop3A_243 : vector<16xf32>
        %parallel_loop3A_245 = arith.maximumf %parallel_loop3A_202, %parallel_loop3A_243 : vector<16xf32>
        %parallel_loop3A_246 = arith.constant dense<true> : vector<16xi1>
        %parallel_loop3A_247, %parallel_loop3A_248, %parallel_loop3A_249 = tpu.sort %parallel_loop3A_244, %parallel_loop3A_244 masked %parallel_loop3A_246 : (vector<16xf32>, vector<16xf32>, vector<16xi1>) -> (vector<16xi1>, vector<16xf32>, vector<16xf32>)
        %parallel_loop3A_250 = arith.constant dense<true> : vector<16xi1>
        %parallel_loop3A_251, %parallel_loop3A_252, %parallel_loop3A_253 = tpu.sort %parallel_loop3A_245, %parallel_loop3A_245 masked %parallel_loop3A_250 : (vector<16xf32>, vector<16xf32>, vector<16xi1>) -> (vector<16xi1>, vector<16xf32>, vector<16xf32>)
        %parallel_loop3A_254 = arith.constant 15 : i32
        %parallel_loop3A_255 = vector.broadcast %parallel_loop3A_254 : i32 to vector<16xi32>
        %parallel_loop3A_256 = tpu.iota {dimensions = array<i32: 0>} : vector<16xi32>
        %parallel_loop3A_257 = arith.subi %parallel_loop3A_255, %parallel_loop3A_256 : vector<16xi32>
        %parallel_loop3A_258 = tpu.dynamic_gather %parallel_loop3A_214[%parallel_loop3A_257] in [0] : vector<16xf32>, vector<16xi32> -> vector<16xf32>
        %parallel_loop3A_259 = arith.minimumf %parallel_loop3A_210, %parallel_loop3A_258 : vector<16xf32>
        %parallel_loop3A_260 = arith.maximumf %parallel_loop3A_210, %parallel_loop3A_258 : vector<16xf32>
        %parallel_loop3A_261 = arith.constant dense<true> : vector<16xi1>
        %parallel_loop3A_262, %parallel_loop3A_263, %parallel_loop3A_264 = tpu.sort %parallel_loop3A_259, %parallel_loop3A_259 masked %parallel_loop3A_261 : (vector<16xf32>, vector<16xf32>, vector<16xi1>) -> (vector<16xi1>, vector<16xf32>, vector<16xf32>)
        %parallel_loop3A_265 = arith.constant dense<true> : vector<16xi1>
        %parallel_loop3A_266, %parallel_loop3A_267, %parallel_loop3A_268 = tpu.sort %parallel_loop3A_260, %parallel_loop3A_260 masked %parallel_loop3A_265 : (vector<16xf32>, vector<16xf32>, vector<16xi1>) -> (vector<16xi1>, vector<16xf32>, vector<16xf32>)
        %parallel_loop3A_269 = arith.constant 15 : i32
        %parallel_loop3A_270 = vector.broadcast %parallel_loop3A_269 : i32 to vector<16xi32>
        %parallel_loop3A_271 = tpu.iota {dimensions = array<i32: 0>} : vector<16xi32>
        %parallel_loop3A_272 = arith.subi %parallel_loop3A_270, %parallel_loop3A_271 : vector<16xi32>
        %parallel_loop3A_273 = tpu.dynamic_gather %parallel_loop3A_222[%parallel_loop3A_272] in [0] : vector<16xf32>, vector<16xi32> -> vector<16xf32>
        %parallel_loop3A_274 = arith.minimumf %parallel_loop3A_218, %parallel_loop3A_273 : vector<16xf32>
        %parallel_loop3A_275 = arith.maximumf %parallel_loop3A_218, %parallel_loop3A_273 : vector<16xf32>
        %parallel_loop3A_276 = arith.constant dense<true> : vector<16xi1>
        %parallel_loop3A_277, %parallel_loop3A_278, %parallel_loop3A_279 = tpu.sort %parallel_loop3A_274, %parallel_loop3A_274 masked %parallel_loop3A_276 : (vector<16xf32>, vector<16xf32>, vector<16xi1>) -> (vector<16xi1>, vector<16xf32>, vector<16xf32>)
        %parallel_loop3A_280 = arith.constant dense<true> : vector<16xi1>
        %parallel_loop3A_281, %parallel_loop3A_282, %parallel_loop3A_283 = tpu.sort %parallel_loop3A_275, %parallel_loop3A_275 masked %parallel_loop3A_280 : (vector<16xf32>, vector<16xf32>, vector<16xi1>) -> (vector<16xi1>, vector<16xf32>, vector<16xf32>)
        %parallel_loop3A_284 = arith.constant 15 : i32
        %parallel_loop3A_285 = vector.broadcast %parallel_loop3A_284 : i32 to vector<16xi32>
        %parallel_loop3A_286 = tpu.iota {dimensions = array<i32: 0>} : vector<16xi32>
        %parallel_loop3A_287 = arith.subi %parallel_loop3A_285, %parallel_loop3A_286 : vector<16xi32>
        %parallel_loop3A_288 = tpu.dynamic_gather %parallel_loop3A_252[%parallel_loop3A_287] in [0] : vector<16xf32>, vector<16xi32> -> vector<16xf32>
        %parallel_loop3A_289 = arith.constant 15 : i32
        %parallel_loop3A_290 = vector.broadcast %parallel_loop3A_289 : i32 to vector<16xi32>
        %parallel_loop3A_291 = tpu.iota {dimensions = array<i32: 0>} : vector<16xi32>
        %parallel_loop3A_292 = arith.subi %parallel_loop3A_290, %parallel_loop3A_291 : vector<16xi32>
        %parallel_loop3A_293 = tpu.dynamic_gather %parallel_loop3A_248[%parallel_loop3A_292] in [0] : vector<16xf32>, vector<16xi32> -> vector<16xf32>
        %parallel_loop3A_294 = arith.minimumf %parallel_loop3A_233, %parallel_loop3A_288 : vector<16xf32>
        %parallel_loop3A_295 = arith.maximumf %parallel_loop3A_233, %parallel_loop3A_288 : vector<16xf32>
        %parallel_loop3A_296 = arith.minimumf %parallel_loop3A_237, %parallel_loop3A_293 : vector<16xf32>
        %parallel_loop3A_297 = arith.maximumf %parallel_loop3A_237, %parallel_loop3A_293 : vector<16xf32>
        %parallel_loop3A_298 = arith.minimumf %parallel_loop3A_294, %parallel_loop3A_296 : vector<16xf32>
        %parallel_loop3A_299 = arith.maximumf %parallel_loop3A_294, %parallel_loop3A_296 : vector<16xf32>
        %parallel_loop3A_300 = arith.minimumf %parallel_loop3A_295, %parallel_loop3A_297 : vector<16xf32>
        %parallel_loop3A_301 = arith.maximumf %parallel_loop3A_295, %parallel_loop3A_297 : vector<16xf32>
        %parallel_loop3A_302 = arith.constant dense<true> : vector<16xi1>
        %parallel_loop3A_303, %parallel_loop3A_304, %parallel_loop3A_305 = tpu.sort %parallel_loop3A_298, %parallel_loop3A_298 masked %parallel_loop3A_302 : (vector<16xf32>, vector<16xf32>, vector<16xi1>) -> (vector<16xi1>, vector<16xf32>, vector<16xf32>)
        %parallel_loop3A_306 = arith.constant dense<true> : vector<16xi1>
        %parallel_loop3A_307, %parallel_loop3A_308, %parallel_loop3A_309 = tpu.sort %parallel_loop3A_299, %parallel_loop3A_299 masked %parallel_loop3A_306 : (vector<16xf32>, vector<16xf32>, vector<16xi1>) -> (vector<16xi1>, vector<16xf32>, vector<16xf32>)
        %parallel_loop3A_310 = arith.constant dense<true> : vector<16xi1>
        %parallel_loop3A_311, %parallel_loop3A_312, %parallel_loop3A_313 = tpu.sort %parallel_loop3A_300, %parallel_loop3A_300 masked %parallel_loop3A_310 : (vector<16xf32>, vector<16xf32>, vector<16xi1>) -> (vector<16xi1>, vector<16xf32>, vector<16xf32>)
        %parallel_loop3A_314 = arith.constant dense<true> : vector<16xi1>
        %parallel_loop3A_315, %parallel_loop3A_316, %parallel_loop3A_317 = tpu.sort %parallel_loop3A_301, %parallel_loop3A_301 masked %parallel_loop3A_314 : (vector<16xf32>, vector<16xf32>, vector<16xi1>) -> (vector<16xi1>, vector<16xf32>, vector<16xf32>)
        %parallel_loop3A_318 = arith.constant 15 : i32
        %parallel_loop3A_319 = vector.broadcast %parallel_loop3A_318 : i32 to vector<16xi32>
        %parallel_loop3A_320 = tpu.iota {dimensions = array<i32: 0>} : vector<16xi32>
        %parallel_loop3A_321 = arith.subi %parallel_loop3A_319, %parallel_loop3A_320 : vector<16xi32>
        %parallel_loop3A_322 = tpu.dynamic_gather %parallel_loop3A_282[%parallel_loop3A_321] in [0] : vector<16xf32>, vector<16xi32> -> vector<16xf32>
        %parallel_loop3A_323 = arith.constant 15 : i32
        %parallel_loop3A_324 = vector.broadcast %parallel_loop3A_323 : i32 to vector<16xi32>
        %parallel_loop3A_325 = tpu.iota {dimensions = array<i32: 0>} : vector<16xi32>
        %parallel_loop3A_326 = arith.subi %parallel_loop3A_324, %parallel_loop3A_325 : vector<16xi32>
        %parallel_loop3A_327 = tpu.dynamic_gather %parallel_loop3A_278[%parallel_loop3A_326] in [0] : vector<16xf32>, vector<16xi32> -> vector<16xf32>
        %parallel_loop3A_328 = arith.minimumf %parallel_loop3A_263, %parallel_loop3A_322 : vector<16xf32>
        %parallel_loop3A_329 = arith.maximumf %parallel_loop3A_263, %parallel_loop3A_322 : vector<16xf32>
        %parallel_loop3A_330 = arith.minimumf %parallel_loop3A_267, %parallel_loop3A_327 : vector<16xf32>
        %parallel_loop3A_331 = arith.maximumf %parallel_loop3A_267, %parallel_loop3A_327 : vector<16xf32>
        %parallel_loop3A_332 = arith.minimumf %parallel_loop3A_328, %parallel_loop3A_330 : vector<16xf32>
        %parallel_loop3A_333 = arith.maximumf %parallel_loop3A_328, %parallel_loop3A_330 : vector<16xf32>
        %parallel_loop3A_334 = arith.minimumf %parallel_loop3A_329, %parallel_loop3A_331 : vector<16xf32>
        %parallel_loop3A_335 = arith.maximumf %parallel_loop3A_329, %parallel_loop3A_331 : vector<16xf32>
        %parallel_loop3A_336 = arith.constant dense<true> : vector<16xi1>
        %parallel_loop3A_337, %parallel_loop3A_338, %parallel_loop3A_339 = tpu.sort %parallel_loop3A_332, %parallel_loop3A_332 masked %parallel_loop3A_336 : (vector<16xf32>, vector<16xf32>, vector<16xi1>) -> (vector<16xi1>, vector<16xf32>, vector<16xf32>)
        %parallel_loop3A_340 = arith.constant dense<true> : vector<16xi1>
        %parallel_loop3A_341, %parallel_loop3A_342, %parallel_loop3A_343 = tpu.sort %parallel_loop3A_333, %parallel_loop3A_333 masked %parallel_loop3A_340 : (vector<16xf32>, vector<16xf32>, vector<16xi1>) -> (vector<16xi1>, vector<16xf32>, vector<16xf32>)
        %parallel_loop3A_344 = arith.constant dense<true> : vector<16xi1>
        %parallel_loop3A_345, %parallel_loop3A_346, %parallel_loop3A_347 = tpu.sort %parallel_loop3A_334, %parallel_loop3A_334 masked %parallel_loop3A_344 : (vector<16xf32>, vector<16xf32>, vector<16xi1>) -> (vector<16xi1>, vector<16xf32>, vector<16xf32>)
        %parallel_loop3A_348 = arith.constant dense<true> : vector<16xi1>
        %parallel_loop3A_349, %parallel_loop3A_350, %parallel_loop3A_351 = tpu.sort %parallel_loop3A_335, %parallel_loop3A_335 masked %parallel_loop3A_348 : (vector<16xf32>, vector<16xf32>, vector<16xi1>) -> (vector<16xi1>, vector<16xf32>, vector<16xf32>)
        %parallel_loop3A_352 = arith.constant 15 : i32
        %parallel_loop3A_353 = vector.broadcast %parallel_loop3A_352 : i32 to vector<16xi32>
        %parallel_loop3A_354 = tpu.iota {dimensions = array<i32: 0>} : vector<16xi32>
        %parallel_loop3A_355 = arith.subi %parallel_loop3A_353, %parallel_loop3A_354 : vector<16xi32>
        %parallel_loop3A_356 = tpu.dynamic_gather %parallel_loop3A_350[%parallel_loop3A_355] in [0] : vector<16xf32>, vector<16xi32> -> vector<16xf32>
        %parallel_loop3A_357 = arith.constant 15 : i32
        %parallel_loop3A_358 = vector.broadcast %parallel_loop3A_357 : i32 to vector<16xi32>
        %parallel_loop3A_359 = tpu.iota {dimensions = array<i32: 0>} : vector<16xi32>
        %parallel_loop3A_360 = arith.subi %parallel_loop3A_358, %parallel_loop3A_359 : vector<16xi32>
        %parallel_loop3A_361 = tpu.dynamic_gather %parallel_loop3A_346[%parallel_loop3A_360] in [0] : vector<16xf32>, vector<16xi32> -> vector<16xf32>
        %parallel_loop3A_362 = arith.constant 15 : i32
        %parallel_loop3A_363 = vector.broadcast %parallel_loop3A_362 : i32 to vector<16xi32>
        %parallel_loop3A_364 = tpu.iota {dimensions = array<i32: 0>} : vector<16xi32>
        %parallel_loop3A_365 = arith.subi %parallel_loop3A_363, %parallel_loop3A_364 : vector<16xi32>
        %parallel_loop3A_366 = tpu.dynamic_gather %parallel_loop3A_342[%parallel_loop3A_365] in [0] : vector<16xf32>, vector<16xi32> -> vector<16xf32>
        %parallel_loop3A_367 = arith.constant 15 : i32
        %parallel_loop3A_368 = vector.broadcast %parallel_loop3A_367 : i32 to vector<16xi32>
        %parallel_loop3A_369 = tpu.iota {dimensions = array<i32: 0>} : vector<16xi32>
        %parallel_loop3A_370 = arith.subi %parallel_loop3A_368, %parallel_loop3A_369 : vector<16xi32>
        %parallel_loop3A_371 = tpu.dynamic_gather %parallel_loop3A_338[%parallel_loop3A_370] in [0] : vector<16xf32>, vector<16xi32> -> vector<16xf32>
        %parallel_loop3A_372 = arith.minimumf %parallel_loop3A_304, %parallel_loop3A_356 : vector<16xf32>
        %parallel_loop3A_373 = arith.maximumf %parallel_loop3A_304, %parallel_loop3A_356 : vector<16xf32>
        %parallel_loop3A_374 = arith.minimumf %parallel_loop3A_308, %parallel_loop3A_361 : vector<16xf32>
        %parallel_loop3A_375 = arith.maximumf %parallel_loop3A_308, %parallel_loop3A_361 : vector<16xf32>
        %parallel_loop3A_376 = arith.minimumf %parallel_loop3A_312, %parallel_loop3A_366 : vector<16xf32>
        %parallel_loop3A_377 = arith.maximumf %parallel_loop3A_312, %parallel_loop3A_366 : vector<16xf32>
        %parallel_loop3A_378 = arith.minimumf %parallel_loop3A_316, %parallel_loop3A_371 : vector<16xf32>
        %parallel_loop3A_379 = arith.maximumf %parallel_loop3A_316, %parallel_loop3A_371 : vector<16xf32>
        %parallel_loop3A_380 = arith.minimumf %parallel_loop3A_372, %parallel_loop3A_376 : vector<16xf32>
        %parallel_loop3A_381 = arith.maximumf %parallel_loop3A_372, %parallel_loop3A_376 : vector<16xf32>
        %parallel_loop3A_382 = arith.minimumf %parallel_loop3A_374, %parallel_loop3A_378 : vector<16xf32>
        %parallel_loop3A_383 = arith.maximumf %parallel_loop3A_374, %parallel_loop3A_378 : vector<16xf32>
        %parallel_loop3A_384 = arith.minimumf %parallel_loop3A_373, %parallel_loop3A_377 : vector<16xf32>
        %parallel_loop3A_385 = arith.maximumf %parallel_loop3A_373, %parallel_loop3A_377 : vector<16xf32>
        %parallel_loop3A_386 = arith.minimumf %parallel_loop3A_375, %parallel_loop3A_379 : vector<16xf32>
        %parallel_loop3A_387 = arith.maximumf %parallel_loop3A_375, %parallel_loop3A_379 : vector<16xf32>
        %parallel_loop3A_388 = arith.minimumf %parallel_loop3A_380, %parallel_loop3A_382 : vector<16xf32>
        %parallel_loop3A_389 = arith.maximumf %parallel_loop3A_380, %parallel_loop3A_382 : vector<16xf32>
        %parallel_loop3A_390 = arith.minimumf %parallel_loop3A_381, %parallel_loop3A_383 : vector<16xf32>
        %parallel_loop3A_391 = arith.maximumf %parallel_loop3A_381, %parallel_loop3A_383 : vector<16xf32>
        %parallel_loop3A_392 = arith.minimumf %parallel_loop3A_384, %parallel_loop3A_386 : vector<16xf32>
        %parallel_loop3A_393 = arith.maximumf %parallel_loop3A_384, %parallel_loop3A_386 : vector<16xf32>
        %parallel_loop3A_394 = arith.minimumf %parallel_loop3A_385, %parallel_loop3A_387 : vector<16xf32>
        %parallel_loop3A_395 = arith.maximumf %parallel_loop3A_385, %parallel_loop3A_387 : vector<16xf32>
        %parallel_loop3A_396 = arith.constant dense<true> : vector<16xi1>
        %parallel_loop3A_397, %parallel_loop3A_398, %parallel_loop3A_399 = tpu.sort %parallel_loop3A_388, %parallel_loop3A_388 masked %parallel_loop3A_396 : (vector<16xf32>, vector<16xf32>, vector<16xi1>) -> (vector<16xi1>, vector<16xf32>, vector<16xf32>)
        %parallel_loop3A_400 = arith.constant dense<true> : vector<16xi1>
        %parallel_loop3A_401, %parallel_loop3A_402, %parallel_loop3A_403 = tpu.sort %parallel_loop3A_389, %parallel_loop3A_389 masked %parallel_loop3A_400 : (vector<16xf32>, vector<16xf32>, vector<16xi1>) -> (vector<16xi1>, vector<16xf32>, vector<16xf32>)
        %parallel_loop3A_404 = arith.constant dense<true> : vector<16xi1>
        %parallel_loop3A_405, %parallel_loop3A_406, %parallel_loop3A_407 = tpu.sort %parallel_loop3A_390, %parallel_loop3A_390 masked %parallel_loop3A_404 : (vector<16xf32>, vector<16xf32>, vector<16xi1>) -> (vector<16xi1>, vector<16xf32>, vector<16xf32>)
        %parallel_loop3A_408 = arith.constant dense<true> : vector<16xi1>
        %parallel_loop3A_409, %parallel_loop3A_410, %parallel_loop3A_411 = tpu.sort %parallel_loop3A_391, %parallel_loop3A_391 masked %parallel_loop3A_408 : (vector<16xf32>, vector<16xf32>, vector<16xi1>) -> (vector<16xi1>, vector<16xf32>, vector<16xf32>)
        %parallel_loop3A_412 = arith.constant dense<true> : vector<16xi1>
        %parallel_loop3A_413, %parallel_loop3A_414, %parallel_loop3A_415 = tpu.sort %parallel_loop3A_392, %parallel_loop3A_392 masked %parallel_loop3A_412 : (vector<16xf32>, vector<16xf32>, vector<16xi1>) -> (vector<16xi1>, vector<16xf32>, vector<16xf32>)
        %parallel_loop3A_416 = arith.constant dense<true> : vector<16xi1>
        %parallel_loop3A_417, %parallel_loop3A_418, %parallel_loop3A_419 = tpu.sort %parallel_loop3A_393, %parallel_loop3A_393 masked %parallel_loop3A_416 : (vector<16xf32>, vector<16xf32>, vector<16xi1>) -> (vector<16xi1>, vector<16xf32>, vector<16xf32>)
        %parallel_loop3A_420 = arith.constant dense<true> : vector<16xi1>
        %parallel_loop3A_421, %parallel_loop3A_422, %parallel_loop3A_423 = tpu.sort %parallel_loop3A_394, %parallel_loop3A_394 masked %parallel_loop3A_420 : (vector<16xf32>, vector<16xf32>, vector<16xi1>) -> (vector<16xi1>, vector<16xf32>, vector<16xf32>)
        %parallel_loop3A_424 = arith.constant dense<true> : vector<16xi1>
        %parallel_loop3A_425, %parallel_loop3A_426, %parallel_loop3A_427 = tpu.sort %parallel_loop3A_395, %parallel_loop3A_395 masked %parallel_loop3A_424 : (vector<16xf32>, vector<16xf32>, vector<16xi1>) -> (vector<16xi1>, vector<16xf32>, vector<16xf32>)
        %parallel_loop3A_428 = arith.constant 0 : i32
        %parallel_loop3A_429 = arith.addi %parallel_loop3A_151, %parallel_loop3A_428 : i32
        %parallel_loop3A_430 = arith.index_cast %parallel_loop3A_125 : i32 to index
        %parallel_loop3A_431 = arith.index_cast %parallel_loop3A_429 : i32 to index
        %parallel_loop3A_432 = tpu.vector_load %arg6[%parallel_loop3A_430, %parallel_loop3A_431] {strides = array<i32>} : memref<8x2048xf32, #tpu.memory_space<vmem>>, vector<16xf32>,
        tpu.vector_store %arg6[%parallel_loop3A_430, %parallel_loop3A_431], %parallel_loop3A_398 {strides = array<i32>} : memref<8x2048xf32, #tpu.memory_space<vmem>>, vector<16xf32>,
        %parallel_loop3A_433 = arith.constant 16 : i32
        %parallel_loop3A_434 = arith.addi %parallel_loop3A_151, %parallel_loop3A_433 : i32
        %parallel_loop3A_435 = arith.index_cast %parallel_loop3A_125 : i32 to index
        %parallel_loop3A_436 = arith.index_cast %parallel_loop3A_434 : i32 to index
        %parallel_loop3A_437 = tpu.vector_load %arg6[%parallel_loop3A_435, %parallel_loop3A_436] {strides = array<i32>} : memref<8x2048xf32, #tpu.memory_space<vmem>>, vector<16xf32>,
        tpu.vector_store %arg6[%parallel_loop3A_435, %parallel_loop3A_436], %parallel_loop3A_402 {strides = array<i32>} : memref<8x2048xf32, #tpu.memory_space<vmem>>, vector<16xf32>,
        %parallel_loop3A_438 = arith.constant 32 : i32
        %parallel_loop3A_439 = arith.addi %parallel_loop3A_151, %parallel_loop3A_438 : i32
        %parallel_loop3A_440 = arith.index_cast %parallel_loop3A_125 : i32 to index
        %parallel_loop3A_441 = arith.index_cast %parallel_loop3A_439 : i32 to index
        %parallel_loop3A_442 = tpu.vector_load %arg6[%parallel_loop3A_440, %parallel_loop3A_441] {strides = array<i32>} : memref<8x2048xf32, #tpu.memory_space<vmem>>, vector<16xf32>,
        tpu.vector_store %arg6[%parallel_loop3A_440, %parallel_loop3A_441], %parallel_loop3A_406 {strides = array<i32>} : memref<8x2048xf32, #tpu.memory_space<vmem>>, vector<16xf32>,
        %parallel_loop3A_443 = arith.constant 48 : i32
        %parallel_loop3A_444 = arith.addi %parallel_loop3A_151, %parallel_loop3A_443 : i32
        %parallel_loop3A_445 = arith.index_cast %parallel_loop3A_125 : i32 to index
        %parallel_loop3A_446 = arith.index_cast %parallel_loop3A_444 : i32 to index
        %parallel_loop3A_447 = tpu.vector_load %arg6[%parallel_loop3A_445, %parallel_loop3A_446] {strides = array<i32>} : memref<8x2048xf32, #tpu.memory_space<vmem>>, vector<16xf32>,
        tpu.vector_store %arg6[%parallel_loop3A_445, %parallel_loop3A_446], %parallel_loop3A_410 {strides = array<i32>} : memref<8x2048xf32, #tpu.memory_space<vmem>>, vector<16xf32>,
        %parallel_loop3A_448 = arith.constant 64 : i32
        %parallel_loop3A_449 = arith.addi %parallel_loop3A_151, %parallel_loop3A_448 : i32
        %parallel_loop3A_450 = arith.index_cast %parallel_loop3A_125 : i32 to index
        %parallel_loop3A_451 = arith.index_cast %parallel_loop3A_449 : i32 to index
        %parallel_loop3A_452 = tpu.vector_load %arg6[%parallel_loop3A_450, %parallel_loop3A_451] {strides = array<i32>} : memref<8x2048xf32, #tpu.memory_space<vmem>>, vector<16xf32>,
        tpu.vector_store %arg6[%parallel_loop3A_450, %parallel_loop3A_451], %parallel_loop3A_414 {strides = array<i32>} : memref<8x2048xf32, #tpu.memory_space<vmem>>, vector<16xf32>,
        %parallel_loop3A_453 = arith.constant 80 : i32
        %parallel_loop3A_454 = arith.addi %parallel_loop3A_151, %parallel_loop3A_453 : i32
        %parallel_loop3A_455 = arith.index_cast %parallel_loop3A_125 : i32 to index
        %parallel_loop3A_456 = arith.index_cast %parallel_loop3A_454 : i32 to index
        %parallel_loop3A_457 = tpu.vector_load %arg6[%parallel_loop3A_455, %parallel_loop3A_456] {strides = array<i32>} : memref<8x2048xf32, #tpu.memory_space<vmem>>, vector<16xf32>,
        tpu.vector_store %arg6[%parallel_loop3A_455, %parallel_loop3A_456], %parallel_loop3A_418 {strides = array<i32>} : memref<8x2048xf32, #tpu.memory_space<vmem>>, vector<16xf32>,
        %parallel_loop3A_458 = arith.constant 96 : i32
        %parallel_loop3A_459 = arith.addi %parallel_loop3A_151, %parallel_loop3A_458 : i32
        %parallel_loop3A_460 = arith.index_cast %parallel_loop3A_125 : i32 to index
        %parallel_loop3A_461 = arith.index_cast %parallel_loop3A_459 : i32 to index
        %parallel_loop3A_462 = tpu.vector_load %arg6[%parallel_loop3A_460, %parallel_loop3A_461] {strides = array<i32>} : memref<8x2048xf32, #tpu.memory_space<vmem>>, vector<16xf32>,
        tpu.vector_store %arg6[%parallel_loop3A_460, %parallel_loop3A_461], %parallel_loop3A_422 {strides = array<i32>} : memref<8x2048xf32, #tpu.memory_space<vmem>>, vector<16xf32>,
        %parallel_loop3A_463 = arith.constant 112 : i32
        %parallel_loop3A_464 = arith.addi %parallel_loop3A_151, %parallel_loop3A_463 : i32
        %parallel_loop3A_465 = arith.index_cast %parallel_loop3A_125 : i32 to index
        %parallel_loop3A_466 = arith.index_cast %parallel_loop3A_464 : i32 to index
        %parallel_loop3A_467 = tpu.vector_load %arg6[%parallel_loop3A_465, %parallel_loop3A_466] {strides = array<i32>} : memref<8x2048xf32, #tpu.memory_space<vmem>>, vector<16xf32>,
        tpu.vector_store %arg6[%parallel_loop3A_465, %parallel_loop3A_466], %parallel_loop3A_426 {strides = array<i32>} : memref<8x2048xf32, #tpu.memory_space<vmem>>, vector<16xf32>,
      } {sc.loop_unroll_factor = 4 : i64, sc.parallel_access}
      %mul3A_76 = arith.constant 16 : i32
      %mul3A_77 = arith.muli %mul3A_64, %mul3A_76 : i32
      %add3A_78 = arith.addi %mul3A_34, %mul3A_77 : i32
      %mul3A_79 = arith.constant 128 : i32
      %mul3A_80 = arith.muli %add3A_78, %mul3A_79 : i32
      %dma_start3A_81 = tpu.memref_slice %arg3[%mul3A_32, %mul3A_80] : memref<128x32768xf32, #tpu.memory_space<hbm>> -> memref<8x2048xf32, #tpu.memory_space<hbm>>
      %dma_start3A_82 = tpu.memref_slice %arg3[%mul3A_32, %mul3A_80] : memref<128x32768xf32, #tpu.memory_space<hbm>> -> memref<8x2048xf32, #tpu.memory_space<hbm>>
      tpu.enqueue_dma source(%arg6 : memref<8x2048xf32, #tpu.memory_space<vmem>>) target(%dma_start3A_82 : memref<8x2048xf32, #tpu.memory_space<hbm>>) target_semaphore(%arg10 : memref<!tpu.dma_semaphore, #tpu.memory_space<semaphore_mem>>)
      %add3A_83 = arith.constant 1 : i32
      %add3A_84 = arith.addi %scan3A_62, %add3A_83 : i32
      %lt3A_85 = arith.constant 4 : i32
      %lt3A_86 = arith.cmpi slt, %add3A_84, %lt3A_85 : i32
      %convert_element_type3A_87 = arith.extui %lt3A_86 : i1 to i32
      %cond3A_88 = arith.constant 0 : i32
      %cond3A_89 = arith.cmpi ne, %convert_element_type3A_87, %cond3A_88 : i32
      scf.if %cond3A_89 {
        %add3A_123 = arith.constant 2 : i32
        %add3A_124 = arith.addi %mul3A_64, %add3A_123 : i32
        %mul3A_125 = arith.constant 16 : i32
        %mul3A_126 = arith.muli %add3A_124, %mul3A_125 : i32
        %add3A_127 = arith.addi %mul3A_34, %mul3A_126 : i32
        %mul3A_128 = arith.constant 128 : i32
        %mul3A_129 = arith.muli %add3A_127, %mul3A_128 : i32
        %dma_start3A_130 = tpu.memref_slice %arg2[%mul3A_32, %mul3A_129] : memref<128x32768xf32, #tpu.memory_space<hbm>> -> memref<8x2048xf32, #tpu.memory_space<hbm>>
        %dma_start3A_131 = tpu.memref_slice %arg2[%mul3A_32, %mul3A_129] : memref<128x32768xf32, #tpu.memory_space<hbm>> -> memref<8x2048xf32, #tpu.memory_space<hbm>>
        tpu.enqueue_dma source(%dma_start3A_131 : memref<8x2048xf32, #tpu.memory_space<hbm>>) target(%arg4 : memref<8x2048xf32, #tpu.memory_space<vmem>>) target_semaphore(%arg8 : memref<!tpu.dma_semaphore, #tpu.memory_space<semaphore_mem>>)
      } else {
      }
      %gt3A_90 = arith.constant 0 : i32
      %gt3A_91 = arith.cmpi sgt, %scan3A_62, %gt3A_90 : i32
      %convert_element_type3A_92 = arith.extui %gt3A_91 : i1 to i32
      %cond3A_93 = arith.constant 0 : i32
      %cond3A_94 = arith.cmpi ne, %convert_element_type3A_92, %cond3A_93 : i32
      scf.if %cond3A_94 {
        %add3A_123 = arith.constant 1 : i32
        %add3A_124 = arith.addi %mul3A_64, %add3A_123 : i32
        %mul3A_125 = arith.constant 16 : i32
        %mul3A_126 = arith.muli %add3A_124, %mul3A_125 : i32
        %add3A_127 = arith.addi %mul3A_34, %mul3A_126 : i32
        %mul3A_128 = arith.constant 128 : i32
        %mul3A_129 = arith.muli %add3A_127, %mul3A_128 : i32
        %dma_wait3A_130 = tpu.memref_slice %arg3[%mul3A_32, %mul3A_129] : memref<128x32768xf32, #tpu.memory_space<hbm>> -> memref<8x2048xf32, #tpu.memory_space<hbm>>
        %dma_wait3A_131 = tpu.memref_slice %arg3[%mul3A_32, %mul3A_129] : memref<128x32768xf32, #tpu.memory_space<hbm>> -> memref<8x2048xf32, #tpu.memory_space<hbm>>
        tpu.wait_dma2 semaphore(%arg11 : memref<!tpu.dma_semaphore, #tpu.memory_space<semaphore_mem>>) src(%arg7 : memref<8x2048xf32, #tpu.memory_space<vmem>>) dst(%dma_wait3A_131 : memref<8x2048xf32, #tpu.memory_space<hbm>>)
      } else {
      }
      %add3A_95 = arith.constant 1 : i32
      %add3A_96 = arith.addi %mul3A_64, %add3A_95 : i32
      %mul3A_97 = arith.constant 16 : i32
      %mul3A_98 = arith.muli %add3A_96, %mul3A_97 : i32
      %add3A_99 = arith.addi %mul3A_34, %mul3A_98 : i32
      %mul3A_100 = arith.constant 128 : i32
      %mul3A_101 = arith.muli %add3A_99, %mul3A_100 : i32
      %dma_wait3A_102 = tpu.memref_slice %arg2[%mul3A_32, %mul3A_101] : memref<128x32768xf32, #tpu.memory_space<hbm>> -> memref<8x2048xf32, #tpu.memory_space<hbm>>
      %dma_wait3A_103 = tpu.memref_slice %arg2[%mul3A_32, %mul3A_101] : memref<128x32768xf32, #tpu.memory_space<hbm>> -> memref<8x2048xf32, #tpu.memory_space<hbm>>
      tpu.wait_dma2 semaphore(%arg9 : memref<!tpu.dma_semaphore, #tpu.memory_space<semaphore_mem>>) src(%dma_wait3A_103 : memref<8x2048xf32, #tpu.memory_space<hbm>>) dst(%arg5 : memref<8x2048xf32, #tpu.memory_space<vmem>>)
      %parallel_loop3A_104 = arith.constant 0 : i32
      %parallel_loop3A_105 = arith.constant 128 : i32
      %parallel_loop3A_106 = arith.constant 1 : i32
      scf.for %parallel_loop3A_123 = %parallel_loop3A_104 to %parallel_loop3A_105 step %parallel_loop3A_106  : i32 {
        %parallel_loop3A_124 = arith.constant 8 : i32
        %parallel_loop3A_125 = arith.remsi %parallel_loop3A_123, %parallel_loop3A_124 : i32
        %parallel_loop3A_126 = arith.constant 8 : i32
        %parallel_loop3A_127 = arith.divsi %parallel_loop3A_123, %parallel_loop3A_126 : i32
        %parallel_loop3A_128 = arith.constant 0 : i32
        %parallel_loop3A_129 = arith.cmpi sgt, %parallel_loop3A_123, %parallel_loop3A_128 : i32
        %parallel_loop3A_130 = arith.extui %parallel_loop3A_129 : i1 to i32
        %parallel_loop3A_131 = arith.constant 0 : i32
        %parallel_loop3A_132 = arith.cmpi slt, %parallel_loop3A_123, %parallel_loop3A_131 : i32
        %parallel_loop3A_133 = arith.extui %parallel_loop3A_132 : i1 to i32
        %parallel_loop3A_134 = arith.subi %parallel_loop3A_130, %parallel_loop3A_133 : i32
        %parallel_loop3A_135 = arith.constant 0 : i32
        %parallel_loop3A_136 = arith.cmpi sgt, %parallel_loop3A_126, %parallel_loop3A_135 : i32
        %parallel_loop3A_137 = arith.extui %parallel_loop3A_136 : i1 to i32
        %parallel_loop3A_138 = arith.constant 0 : i32
        %parallel_loop3A_139 = arith.cmpi slt, %parallel_loop3A_126, %parallel_loop3A_138 : i32
        %parallel_loop3A_140 = arith.extui %parallel_loop3A_139 : i1 to i32
        %parallel_loop3A_141 = arith.subi %parallel_loop3A_137, %parallel_loop3A_140 : i32
        %parallel_loop3A_142 = arith.cmpi ne, %parallel_loop3A_134, %parallel_loop3A_141 : i32
        %parallel_loop3A_143 = arith.remsi %parallel_loop3A_123, %parallel_loop3A_126 : i32
        %parallel_loop3A_144 = arith.constant 0 : i32
        %parallel_loop3A_145 = arith.cmpi ne, %parallel_loop3A_143, %parallel_loop3A_144 : i32
        %parallel_loop3A_146 = arith.andi %parallel_loop3A_142, %parallel_loop3A_145 : i1
        %parallel_loop3A_147 = arith.constant 1 : i32
        %parallel_loop3A_148 = arith.subi %parallel_loop3A_127, %parallel_loop3A_147 : i32
        %parallel_loop3A_149 = arith.select %parallel_loop3A_146, %parallel_loop3A_148, %parallel_loop3A_127 : i32
        %parallel_loop3A_150 = arith.constant 128 : i32
        %parallel_loop3A_151 = arith.muli %parallel_loop3A_149, %parallel_loop3A_150 : i32
        %parallel_loop3A_152 = arith.constant 0 : i32
        %parallel_loop3A_153 = arith.addi %parallel_loop3A_151, %parallel_loop3A_152 : i32
        %parallel_loop3A_154 = arith.index_cast %parallel_loop3A_125 : i32 to index
        %parallel_loop3A_155 = arith.index_cast %parallel_loop3A_153 : i32 to index
        %parallel_loop3A_156 = tpu.vector_load %arg5[%parallel_loop3A_154, %parallel_loop3A_155] {strides = array<i32>} : memref<8x2048xf32, #tpu.memory_space<vmem>>, vector<16xf32>,
        %parallel_loop3A_157 = arith.constant 16 : i32
        %parallel_loop3A_158 = arith.addi %parallel_loop3A_151, %parallel_loop3A_157 : i32
        %parallel_loop3A_159 = arith.index_cast %parallel_loop3A_125 : i32 to index
        %parallel_loop3A_160 = arith.index_cast %parallel_loop3A_158 : i32 to index
        %parallel_loop3A_161 = tpu.vector_load %arg5[%parallel_loop3A_159, %parallel_loop3A_160] {strides = array<i32>} : memref<8x2048xf32, #tpu.memory_space<vmem>>, vector<16xf32>,
        %parallel_loop3A_162 = arith.constant 32 : i32
        %parallel_loop3A_163 = arith.addi %parallel_loop3A_151, %parallel_loop3A_162 : i32
        %parallel_loop3A_164 = arith.index_cast %parallel_loop3A_125 : i32 to index
        %parallel_loop3A_165 = arith.index_cast %parallel_loop3A_163 : i32 to index
        %parallel_loop3A_166 = tpu.vector_load %arg5[%parallel_loop3A_164, %parallel_loop3A_165] {strides = array<i32>} : memref<8x2048xf32, #tpu.memory_space<vmem>>, vector<16xf32>,
        %parallel_loop3A_167 = arith.constant 48 : i32
        %parallel_loop3A_168 = arith.addi %parallel_loop3A_151, %parallel_loop3A_167 : i32
        %parallel_loop3A_169 = arith.index_cast %parallel_loop3A_125 : i32 to index
        %parallel_loop3A_170 = arith.index_cast %parallel_loop3A_168 : i32 to index
        %parallel_loop3A_171 = tpu.vector_load %arg5[%parallel_loop3A_169, %parallel_loop3A_170] {strides = array<i32>} : memref<8x2048xf32, #tpu.memory_space<vmem>>, vector<16xf32>,
        %parallel_loop3A_172 = arith.constant 64 : i32
        %parallel_loop3A_173 = arith.addi %parallel_loop3A_151, %parallel_loop3A_172 : i32
        %parallel_loop3A_174 = arith.index_cast %parallel_loop3A_125 : i32 to index
        %parallel_loop3A_175 = arith.index_cast %parallel_loop3A_173 : i32 to index
        %parallel_loop3A_176 = tpu.vector_load %arg5[%parallel_loop3A_174, %parallel_loop3A_175] {strides = array<i32>} : memref<8x2048xf32, #tpu.memory_space<vmem>>, vector<16xf32>,
        %parallel_loop3A_177 = arith.constant 80 : i32
        %parallel_loop3A_178 = arith.addi %parallel_loop3A_151, %parallel_loop3A_177 : i32
        %parallel_loop3A_179 = arith.index_cast %parallel_loop3A_125 : i32 to index
        %parallel_loop3A_180 = arith.index_cast %parallel_loop3A_178 : i32 to index
        %parallel_loop3A_181 = tpu.vector_load %arg5[%parallel_loop3A_179, %parallel_loop3A_180] {strides = array<i32>} : memref<8x2048xf32, #tpu.memory_space<vmem>>, vector<16xf32>,
        %parallel_loop3A_182 = arith.constant 96 : i32
        %parallel_loop3A_183 = arith.addi %parallel_loop3A_151, %parallel_loop3A_182 : i32
        %parallel_loop3A_184 = arith.index_cast %parallel_loop3A_125 : i32 to index
        %parallel_loop3A_185 = arith.index_cast %parallel_loop3A_183 : i32 to index
        %parallel_loop3A_186 = tpu.vector_load %arg5[%parallel_loop3A_184, %parallel_loop3A_185] {strides = array<i32>} : memref<8x2048xf32, #tpu.memory_space<vmem>>, vector<16xf32>,
        %parallel_loop3A_187 = arith.constant 112 : i32
        %parallel_loop3A_188 = arith.addi %parallel_loop3A_151, %parallel_loop3A_187 : i32
        %parallel_loop3A_189 = arith.index_cast %parallel_loop3A_125 : i32 to index
        %parallel_loop3A_190 = arith.index_cast %parallel_loop3A_188 : i32 to index
        %parallel_loop3A_191 = tpu.vector_load %arg5[%parallel_loop3A_189, %parallel_loop3A_190] {strides = array<i32>} : memref<8x2048xf32, #tpu.memory_space<vmem>>, vector<16xf32>,
        %parallel_loop3A_192 = arith.constant dense<true> : vector<16xi1>
        %parallel_loop3A_193, %parallel_loop3A_194, %parallel_loop3A_195 = tpu.sort %parallel_loop3A_156, %parallel_loop3A_156 masked %parallel_loop3A_192 : (vector<16xf32>, vector<16xf32>, vector<16xi1>) -> (vector<16xi1>, vector<16xf32>, vector<16xf32>)
        %parallel_loop3A_196 = arith.constant dense<true> : vector<16xi1>
        %parallel_loop3A_197, %parallel_loop3A_198, %parallel_loop3A_199 = tpu.sort %parallel_loop3A_161, %parallel_loop3A_161 masked %parallel_loop3A_196 : (vector<16xf32>, vector<16xf32>, vector<16xi1>) -> (vector<16xi1>, vector<16xf32>, vector<16xf32>)
        %parallel_loop3A_200 = arith.constant dense<true> : vector<16xi1>
        %parallel_loop3A_201, %parallel_loop3A_202, %parallel_loop3A_203 = tpu.sort %parallel_loop3A_166, %parallel_loop3A_166 masked %parallel_loop3A_200 : (vector<16xf32>, vector<16xf32>, vector<16xi1>) -> (vector<16xi1>, vector<16xf32>, vector<16xf32>)
        %parallel_loop3A_204 = arith.constant dense<true> : vector<16xi1>
        %parallel_loop3A_205, %parallel_loop3A_206, %parallel_loop3A_207 = tpu.sort %parallel_loop3A_171, %parallel_loop3A_171 masked %parallel_loop3A_204 : (vector<16xf32>, vector<16xf32>, vector<16xi1>) -> (vector<16xi1>, vector<16xf32>, vector<16xf32>)
        %parallel_loop3A_208 = arith.constant dense<true> : vector<16xi1>
        %parallel_loop3A_209, %parallel_loop3A_210, %parallel_loop3A_211 = tpu.sort %parallel_loop3A_176, %parallel_loop3A_176 masked %parallel_loop3A_208 : (vector<16xf32>, vector<16xf32>, vector<16xi1>) -> (vector<16xi1>, vector<16xf32>, vector<16xf32>)
        %parallel_loop3A_212 = arith.constant dense<true> : vector<16xi1>
        %parallel_loop3A_213, %parallel_loop3A_214, %parallel_loop3A_215 = tpu.sort %parallel_loop3A_181, %parallel_loop3A_181 masked %parallel_loop3A_212 : (vector<16xf32>, vector<16xf32>, vector<16xi1>) -> (vector<16xi1>, vector<16xf32>, vector<16xf32>)
        %parallel_loop3A_216 = arith.constant dense<true> : vector<16xi1>
        %parallel_loop3A_217, %parallel_loop3A_218, %parallel_loop3A_219 = tpu.sort %parallel_loop3A_186, %parallel_loop3A_186 masked %parallel_loop3A_216 : (vector<16xf32>, vector<16xf32>, vector<16xi1>) -> (vector<16xi1>, vector<16xf32>, vector<16xf32>)
        %parallel_loop3A_220 = arith.constant dense<true> : vector<16xi1>
        %parallel_loop3A_221, %parallel_loop3A_222, %parallel_loop3A_223 = tpu.sort %parallel_loop3A_191, %parallel_loop3A_191 masked %parallel_loop3A_220 : (vector<16xf32>, vector<16xf32>, vector<16xi1>) -> (vector<16xi1>, vector<16xf32>, vector<16xf32>)
        %parallel_loop3A_224 = arith.constant 15 : i32
        %parallel_loop3A_225 = vector.broadcast %parallel_loop3A_224 : i32 to vector<16xi32>
        %parallel_loop3A_226 = tpu.iota {dimensions = array<i32: 0>} : vector<16xi32>
        %parallel_loop3A_227 = arith.subi %parallel_loop3A_225, %parallel_loop3A_226 : vector<16xi32>
        %parallel_loop3A_228 = tpu.dynamic_gather %parallel_loop3A_198[%parallel_loop3A_227] in [0] : vector<16xf32>, vector<16xi32> -> vector<16xf32>
        %parallel_loop3A_229 = arith.minimumf %parallel_loop3A_194, %parallel_loop3A_228 : vector<16xf32>
        %parallel_loop3A_230 = arith.maximumf %parallel_loop3A_194, %parallel_loop3A_228 : vector<16xf32>
        %parallel_loop3A_231 = arith.constant dense<true> : vector<16xi1>
        %parallel_loop3A_232, %parallel_loop3A_233, %parallel_loop3A_234 = tpu.sort %parallel_loop3A_229, %parallel_loop3A_229 masked %parallel_loop3A_231 : (vector<16xf32>, vector<16xf32>, vector<16xi1>) -> (vector<16xi1>, vector<16xf32>, vector<16xf32>)
        %parallel_loop3A_235 = arith.constant dense<true> : vector<16xi1>
        %parallel_loop3A_236, %parallel_loop3A_237, %parallel_loop3A_238 = tpu.sort %parallel_loop3A_230, %parallel_loop3A_230 masked %parallel_loop3A_235 : (vector<16xf32>, vector<16xf32>, vector<16xi1>) -> (vector<16xi1>, vector<16xf32>, vector<16xf32>)
        %parallel_loop3A_239 = arith.constant 15 : i32
        %parallel_loop3A_240 = vector.broadcast %parallel_loop3A_239 : i32 to vector<16xi32>
        %parallel_loop3A_241 = tpu.iota {dimensions = array<i32: 0>} : vector<16xi32>
        %parallel_loop3A_242 = arith.subi %parallel_loop3A_240, %parallel_loop3A_241 : vector<16xi32>
        %parallel_loop3A_243 = tpu.dynamic_gather %parallel_loop3A_206[%parallel_loop3A_242] in [0] : vector<16xf32>, vector<16xi32> -> vector<16xf32>
        %parallel_loop3A_244 = arith.minimumf %parallel_loop3A_202, %parallel_loop3A_243 : vector<16xf32>
        %parallel_loop3A_245 = arith.maximumf %parallel_loop3A_202, %parallel_loop3A_243 : vector<16xf32>
        %parallel_loop3A_246 = arith.constant dense<true> : vector<16xi1>
        %parallel_loop3A_247, %parallel_loop3A_248, %parallel_loop3A_249 = tpu.sort %parallel_loop3A_244, %parallel_loop3A_244 masked %parallel_loop3A_246 : (vector<16xf32>, vector<16xf32>, vector<16xi1>) -> (vector<16xi1>, vector<16xf32>, vector<16xf32>)
        %parallel_loop3A_250 = arith.constant dense<true> : vector<16xi1>
        %parallel_loop3A_251, %parallel_loop3A_252, %parallel_loop3A_253 = tpu.sort %parallel_loop3A_245, %parallel_loop3A_245 masked %parallel_loop3A_250 : (vector<16xf32>, vector<16xf32>, vector<16xi1>) -> (vector<16xi1>, vector<16xf32>, vector<16xf32>)
        %parallel_loop3A_254 = arith.constant 15 : i32
        %parallel_loop3A_255 = vector.broadcast %parallel_loop3A_254 : i32 to vector<16xi32>
        %parallel_loop3A_256 = tpu.iota {dimensions = array<i32: 0>} : vector<16xi32>
        %parallel_loop3A_257 = arith.subi %parallel_loop3A_255, %parallel_loop3A_256 : vector<16xi32>
        %parallel_loop3A_258 = tpu.dynamic_gather %parallel_loop3A_214[%parallel_loop3A_257] in [0] : vector<16xf32>, vector<16xi32> -> vector<16xf32>
        %parallel_loop3A_259 = arith.minimumf %parallel_loop3A_210, %parallel_loop3A_258 : vector<16xf32>
        %parallel_loop3A_260 = arith.maximumf %parallel_loop3A_210, %parallel_loop3A_258 : vector<16xf32>
        %parallel_loop3A_261 = arith.constant dense<true> : vector<16xi1>
        %parallel_loop3A_262, %parallel_loop3A_263, %parallel_loop3A_264 = tpu.sort %parallel_loop3A_259, %parallel_loop3A_259 masked %parallel_loop3A_261 : (vector<16xf32>, vector<16xf32>, vector<16xi1>) -> (vector<16xi1>, vector<16xf32>, vector<16xf32>)
        %parallel_loop3A_265 = arith.constant dense<true> : vector<16xi1>
        %parallel_loop3A_266, %parallel_loop3A_267, %parallel_loop3A_268 = tpu.sort %parallel_loop3A_260, %parallel_loop3A_260 masked %parallel_loop3A_265 : (vector<16xf32>, vector<16xf32>, vector<16xi1>) -> (vector<16xi1>, vector<16xf32>, vector<16xf32>)
        %parallel_loop3A_269 = arith.constant 15 : i32
        %parallel_loop3A_270 = vector.broadcast %parallel_loop3A_269 : i32 to vector<16xi32>
        %parallel_loop3A_271 = tpu.iota {dimensions = array<i32: 0>} : vector<16xi32>
        %parallel_loop3A_272 = arith.subi %parallel_loop3A_270, %parallel_loop3A_271 : vector<16xi32>
        %parallel_loop3A_273 = tpu.dynamic_gather %parallel_loop3A_222[%parallel_loop3A_272] in [0] : vector<16xf32>, vector<16xi32> -> vector<16xf32>
        %parallel_loop3A_274 = arith.minimumf %parallel_loop3A_218, %parallel_loop3A_273 : vector<16xf32>
        %parallel_loop3A_275 = arith.maximumf %parallel_loop3A_218, %parallel_loop3A_273 : vector<16xf32>
        %parallel_loop3A_276 = arith.constant dense<true> : vector<16xi1>
        %parallel_loop3A_277, %parallel_loop3A_278, %parallel_loop3A_279 = tpu.sort %parallel_loop3A_274, %parallel_loop3A_274 masked %parallel_loop3A_276 : (vector<16xf32>, vector<16xf32>, vector<16xi1>) -> (vector<16xi1>, vector<16xf32>, vector<16xf32>)
        %parallel_loop3A_280 = arith.constant dense<true> : vector<16xi1>
        %parallel_loop3A_281, %parallel_loop3A_282, %parallel_loop3A_283 = tpu.sort %parallel_loop3A_275, %parallel_loop3A_275 masked %parallel_loop3A_280 : (vector<16xf32>, vector<16xf32>, vector<16xi1>) -> (vector<16xi1>, vector<16xf32>, vector<16xf32>)
        %parallel_loop3A_284 = arith.constant 15 : i32
        %parallel_loop3A_285 = vector.broadcast %parallel_loop3A_284 : i32 to vector<16xi32>
        %parallel_loop3A_286 = tpu.iota {dimensions = array<i32: 0>} : vector<16xi32>
        %parallel_loop3A_287 = arith.subi %parallel_loop3A_285, %parallel_loop3A_286 : vector<16xi32>
        %parallel_loop3A_288 = tpu.dynamic_gather %parallel_loop3A_252[%parallel_loop3A_287] in [0] : vector<16xf32>, vector<16xi32> -> vector<16xf32>
        %parallel_loop3A_289 = arith.constant 15 : i32
        %parallel_loop3A_290 = vector.broadcast %parallel_loop3A_289 : i32 to vector<16xi32>
        %parallel_loop3A_291 = tpu.iota {dimensions = array<i32: 0>} : vector<16xi32>
        %parallel_loop3A_292 = arith.subi %parallel_loop3A_290, %parallel_loop3A_291 : vector<16xi32>
        %parallel_loop3A_293 = tpu.dynamic_gather %parallel_loop3A_248[%parallel_loop3A_292] in [0] : vector<16xf32>, vector<16xi32> -> vector<16xf32>
        %parallel_loop3A_294 = arith.minimumf %parallel_loop3A_233, %parallel_loop3A_288 : vector<16xf32>
        %parallel_loop3A_295 = arith.maximumf %parallel_loop3A_233, %parallel_loop3A_288 : vector<16xf32>
        %parallel_loop3A_296 = arith.minimumf %parallel_loop3A_237, %parallel_loop3A_293 : vector<16xf32>
        %parallel_loop3A_297 = arith.maximumf %parallel_loop3A_237, %parallel_loop3A_293 : vector<16xf32>
        %parallel_loop3A_298 = arith.minimumf %parallel_loop3A_294, %parallel_loop3A_296 : vector<16xf32>
        %parallel_loop3A_299 = arith.maximumf %parallel_loop3A_294, %parallel_loop3A_296 : vector<16xf32>
        %parallel_loop3A_300 = arith.minimumf %parallel_loop3A_295, %parallel_loop3A_297 : vector<16xf32>
        %parallel_loop3A_301 = arith.maximumf %parallel_loop3A_295, %parallel_loop3A_297 : vector<16xf32>
        %parallel_loop3A_302 = arith.constant dense<true> : vector<16xi1>
        %parallel_loop3A_303, %parallel_loop3A_304, %parallel_loop3A_305 = tpu.sort %parallel_loop3A_298, %parallel_loop3A_298 masked %parallel_loop3A_302 : (vector<16xf32>, vector<16xf32>, vector<16xi1>) -> (vector<16xi1>, vector<16xf32>, vector<16xf32>)
        %parallel_loop3A_306 = arith.constant dense<true> : vector<16xi1>
        %parallel_loop3A_307, %parallel_loop3A_308, %parallel_loop3A_309 = tpu.sort %parallel_loop3A_299, %parallel_loop3A_299 masked %parallel_loop3A_306 : (vector<16xf32>, vector<16xf32>, vector<16xi1>) -> (vector<16xi1>, vector<16xf32>, vector<16xf32>)
        %parallel_loop3A_310 = arith.constant dense<true> : vector<16xi1>
        %parallel_loop3A_311, %parallel_loop3A_312, %parallel_loop3A_313 = tpu.sort %parallel_loop3A_300, %parallel_loop3A_300 masked %parallel_loop3A_310 : (vector<16xf32>, vector<16xf32>, vector<16xi1>) -> (vector<16xi1>, vector<16xf32>, vector<16xf32>)
        %parallel_loop3A_314 = arith.constant dense<true> : vector<16xi1>
        %parallel_loop3A_315, %parallel_loop3A_316, %parallel_loop3A_317 = tpu.sort %parallel_loop3A_301, %parallel_loop3A_301 masked %parallel_loop3A_314 : (vector<16xf32>, vector<16xf32>, vector<16xi1>) -> (vector<16xi1>, vector<16xf32>, vector<16xf32>)
        %parallel_loop3A_318 = arith.constant 15 : i32
        %parallel_loop3A_319 = vector.broadcast %parallel_loop3A_318 : i32 to vector<16xi32>
        %parallel_loop3A_320 = tpu.iota {dimensions = array<i32: 0>} : vector<16xi32>
        %parallel_loop3A_321 = arith.subi %parallel_loop3A_319, %parallel_loop3A_320 : vector<16xi32>
        %parallel_loop3A_322 = tpu.dynamic_gather %parallel_loop3A_282[%parallel_loop3A_321] in [0] : vector<16xf32>, vector<16xi32> -> vector<16xf32>
        %parallel_loop3A_323 = arith.constant 15 : i32
        %parallel_loop3A_324 = vector.broadcast %parallel_loop3A_323 : i32 to vector<16xi32>
        %parallel_loop3A_325 = tpu.iota {dimensions = array<i32: 0>} : vector<16xi32>
        %parallel_loop3A_326 = arith.subi %parallel_loop3A_324, %parallel_loop3A_325 : vector<16xi32>
        %parallel_loop3A_327 = tpu.dynamic_gather %parallel_loop3A_278[%parallel_loop3A_326] in [0] : vector<16xf32>, vector<16xi32> -> vector<16xf32>
        %parallel_loop3A_328 = arith.minimumf %parallel_loop3A_263, %parallel_loop3A_322 : vector<16xf32>
        %parallel_loop3A_329 = arith.maximumf %parallel_loop3A_263, %parallel_loop3A_322 : vector<16xf32>
        %parallel_loop3A_330 = arith.minimumf %parallel_loop3A_267, %parallel_loop3A_327 : vector<16xf32>
        %parallel_loop3A_331 = arith.maximumf %parallel_loop3A_267, %parallel_loop3A_327 : vector<16xf32>
        %parallel_loop3A_332 = arith.minimumf %parallel_loop3A_328, %parallel_loop3A_330 : vector<16xf32>
        %parallel_loop3A_333 = arith.maximumf %parallel_loop3A_328, %parallel_loop3A_330 : vector<16xf32>
        %parallel_loop3A_334 = arith.minimumf %parallel_loop3A_329, %parallel_loop3A_331 : vector<16xf32>
        %parallel_loop3A_335 = arith.maximumf %parallel_loop3A_329, %parallel_loop3A_331 : vector<16xf32>
        %parallel_loop3A_336 = arith.constant dense<true> : vector<16xi1>
        %parallel_loop3A_337, %parallel_loop3A_338, %parallel_loop3A_339 = tpu.sort %parallel_loop3A_332, %parallel_loop3A_332 masked %parallel_loop3A_336 : (vector<16xf32>, vector<16xf32>, vector<16xi1>) -> (vector<16xi1>, vector<16xf32>, vector<16xf32>)
        %parallel_loop3A_340 = arith.constant dense<true> : vector<16xi1>
        %parallel_loop3A_341, %parallel_loop3A_342, %parallel_loop3A_343 = tpu.sort %parallel_loop3A_333, %parallel_loop3A_333 masked %parallel_loop3A_340 : (vector<16xf32>, vector<16xf32>, vector<16xi1>) -> (vector<16xi1>, vector<16xf32>, vector<16xf32>)
        %parallel_loop3A_344 = arith.constant dense<true> : vector<16xi1>
        %parallel_loop3A_345, %parallel_loop3A_346, %parallel_loop3A_347 = tpu.sort %parallel_loop3A_334, %parallel_loop3A_334 masked %parallel_loop3A_344 : (vector<16xf32>, vector<16xf32>, vector<16xi1>) -> (vector<16xi1>, vector<16xf32>, vector<16xf32>)
        %parallel_loop3A_348 = arith.constant dense<true> : vector<16xi1>
        %parallel_loop3A_349, %parallel_loop3A_350, %parallel_loop3A_351 = tpu.sort %parallel_loop3A_335, %parallel_loop3A_335 masked %parallel_loop3A_348 : (vector<16xf32>, vector<16xf32>, vector<16xi1>) -> (vector<16xi1>, vector<16xf32>, vector<16xf32>)
        %parallel_loop3A_352 = arith.constant 15 : i32
        %parallel_loop3A_353 = vector.broadcast %parallel_loop3A_352 : i32 to vector<16xi32>
        %parallel_loop3A_354 = tpu.iota {dimensions = array<i32: 0>} : vector<16xi32>
        %parallel_loop3A_355 = arith.subi %parallel_loop3A_353, %parallel_loop3A_354 : vector<16xi32>
        %parallel_loop3A_356 = tpu.dynamic_gather %parallel_loop3A_350[%parallel_loop3A_355] in [0] : vector<16xf32>, vector<16xi32> -> vector<16xf32>
        %parallel_loop3A_357 = arith.constant 15 : i32
        %parallel_loop3A_358 = vector.broadcast %parallel_loop3A_357 : i32 to vector<16xi32>
        %parallel_loop3A_359 = tpu.iota {dimensions = array<i32: 0>} : vector<16xi32>
        %parallel_loop3A_360 = arith.subi %parallel_loop3A_358, %parallel_loop3A_359 : vector<16xi32>
        %parallel_loop3A_361 = tpu.dynamic_gather %parallel_loop3A_346[%parallel_loop3A_360] in [0] : vector<16xf32>, vector<16xi32> -> vector<16xf32>
        %parallel_loop3A_362 = arith.constant 15 : i32
        %parallel_loop3A_363 = vector.broadcast %parallel_loop3A_362 : i32 to vector<16xi32>
        %parallel_loop3A_364 = tpu.iota {dimensions = array<i32: 0>} : vector<16xi32>
        %parallel_loop3A_365 = arith.subi %parallel_loop3A_363, %parallel_loop3A_364 : vector<16xi32>
        %parallel_loop3A_366 = tpu.dynamic_gather %parallel_loop3A_342[%parallel_loop3A_365] in [0] : vector<16xf32>, vector<16xi32> -> vector<16xf32>
        %parallel_loop3A_367 = arith.constant 15 : i32
        %parallel_loop3A_368 = vector.broadcast %parallel_loop3A_367 : i32 to vector<16xi32>
        %parallel_loop3A_369 = tpu.iota {dimensions = array<i32: 0>} : vector<16xi32>
        %parallel_loop3A_370 = arith.subi %parallel_loop3A_368, %parallel_loop3A_369 : vector<16xi32>
        %parallel_loop3A_371 = tpu.dynamic_gather %parallel_loop3A_338[%parallel_loop3A_370] in [0] : vector<16xf32>, vector<16xi32> -> vector<16xf32>
        %parallel_loop3A_372 = arith.minimumf %parallel_loop3A_304, %parallel_loop3A_356 : vector<16xf32>
        %parallel_loop3A_373 = arith.maximumf %parallel_loop3A_304, %parallel_loop3A_356 : vector<16xf32>
        %parallel_loop3A_374 = arith.minimumf %parallel_loop3A_308, %parallel_loop3A_361 : vector<16xf32>
        %parallel_loop3A_375 = arith.maximumf %parallel_loop3A_308, %parallel_loop3A_361 : vector<16xf32>
        %parallel_loop3A_376 = arith.minimumf %parallel_loop3A_312, %parallel_loop3A_366 : vector<16xf32>
        %parallel_loop3A_377 = arith.maximumf %parallel_loop3A_312, %parallel_loop3A_366 : vector<16xf32>
        %parallel_loop3A_378 = arith.minimumf %parallel_loop3A_316, %parallel_loop3A_371 : vector<16xf32>
        %parallel_loop3A_379 = arith.maximumf %parallel_loop3A_316, %parallel_loop3A_371 : vector<16xf32>
        %parallel_loop3A_380 = arith.minimumf %parallel_loop3A_372, %parallel_loop3A_376 : vector<16xf32>
        %parallel_loop3A_381 = arith.maximumf %parallel_loop3A_372, %parallel_loop3A_376 : vector<16xf32>
        %parallel_loop3A_382 = arith.minimumf %parallel_loop3A_374, %parallel_loop3A_378 : vector<16xf32>
        %parallel_loop3A_383 = arith.maximumf %parallel_loop3A_374, %parallel_loop3A_378 : vector<16xf32>
        %parallel_loop3A_384 = arith.minimumf %parallel_loop3A_373, %parallel_loop3A_377 : vector<16xf32>
        %parallel_loop3A_385 = arith.maximumf %parallel_loop3A_373, %parallel_loop3A_377 : vector<16xf32>
        %parallel_loop3A_386 = arith.minimumf %parallel_loop3A_375, %parallel_loop3A_379 : vector<16xf32>
        %parallel_loop3A_387 = arith.maximumf %parallel_loop3A_375, %parallel_loop3A_379 : vector<16xf32>
        %parallel_loop3A_388 = arith.minimumf %parallel_loop3A_380, %parallel_loop3A_382 : vector<16xf32>
        %parallel_loop3A_389 = arith.maximumf %parallel_loop3A_380, %parallel_loop3A_382 : vector<16xf32>
        %parallel_loop3A_390 = arith.minimumf %parallel_loop3A_381, %parallel_loop3A_383 : vector<16xf32>
        %parallel_loop3A_391 = arith.maximumf %parallel_loop3A_381, %parallel_loop3A_383 : vector<16xf32>
        %parallel_loop3A_392 = arith.minimumf %parallel_loop3A_384, %parallel_loop3A_386 : vector<16xf32>
        %parallel_loop3A_393 = arith.maximumf %parallel_loop3A_384, %parallel_loop3A_386 : vector<16xf32>
        %parallel_loop3A_394 = arith.minimumf %parallel_loop3A_385, %parallel_loop3A_387 : vector<16xf32>
        %parallel_loop3A_395 = arith.maximumf %parallel_loop3A_385, %parallel_loop3A_387 : vector<16xf32>
        %parallel_loop3A_396 = arith.constant dense<true> : vector<16xi1>
        %parallel_loop3A_397, %parallel_loop3A_398, %parallel_loop3A_399 = tpu.sort %parallel_loop3A_388, %parallel_loop3A_388 masked %parallel_loop3A_396 : (vector<16xf32>, vector<16xf32>, vector<16xi1>) -> (vector<16xi1>, vector<16xf32>, vector<16xf32>)
        %parallel_loop3A_400 = arith.constant dense<true> : vector<16xi1>
        %parallel_loop3A_401, %parallel_loop3A_402, %parallel_loop3A_403 = tpu.sort %parallel_loop3A_389, %parallel_loop3A_389 masked %parallel_loop3A_400 : (vector<16xf32>, vector<16xf32>, vector<16xi1>) -> (vector<16xi1>, vector<16xf32>, vector<16xf32>)
        %parallel_loop3A_404 = arith.constant dense<true> : vector<16xi1>
        %parallel_loop3A_405, %parallel_loop3A_406, %parallel_loop3A_407 = tpu.sort %parallel_loop3A_390, %parallel_loop3A_390 masked %parallel_loop3A_404 : (vector<16xf32>, vector<16xf32>, vector<16xi1>) -> (vector<16xi1>, vector<16xf32>, vector<16xf32>)
        %parallel_loop3A_408 = arith.constant dense<true> : vector<16xi1>
        %parallel_loop3A_409, %parallel_loop3A_410, %parallel_loop3A_411 = tpu.sort %parallel_loop3A_391, %parallel_loop3A_391 masked %parallel_loop3A_408 : (vector<16xf32>, vector<16xf32>, vector<16xi1>) -> (vector<16xi1>, vector<16xf32>, vector<16xf32>)
        %parallel_loop3A_412 = arith.constant dense<true> : vector<16xi1>
        %parallel_loop3A_413, %parallel_loop3A_414, %parallel_loop3A_415 = tpu.sort %parallel_loop3A_392, %parallel_loop3A_392 masked %parallel_loop3A_412 : (vector<16xf32>, vector<16xf32>, vector<16xi1>) -> (vector<16xi1>, vector<16xf32>, vector<16xf32>)
        %parallel_loop3A_416 = arith.constant dense<true> : vector<16xi1>
        %parallel_loop3A_417, %parallel_loop3A_418, %parallel_loop3A_419 = tpu.sort %parallel_loop3A_393, %parallel_loop3A_393 masked %parallel_loop3A_416 : (vector<16xf32>, vector<16xf32>, vector<16xi1>) -> (vector<16xi1>, vector<16xf32>, vector<16xf32>)
        %parallel_loop3A_420 = arith.constant dense<true> : vector<16xi1>
        %parallel_loop3A_421, %parallel_loop3A_422, %parallel_loop3A_423 = tpu.sort %parallel_loop3A_394, %parallel_loop3A_394 masked %parallel_loop3A_420 : (vector<16xf32>, vector<16xf32>, vector<16xi1>) -> (vector<16xi1>, vector<16xf32>, vector<16xf32>)
        %parallel_loop3A_424 = arith.constant dense<true> : vector<16xi1>
        %parallel_loop3A_425, %parallel_loop3A_426, %parallel_loop3A_427 = tpu.sort %parallel_loop3A_395, %parallel_loop3A_395 masked %parallel_loop3A_424 : (vector<16xf32>, vector<16xf32>, vector<16xi1>) -> (vector<16xi1>, vector<16xf32>, vector<16xf32>)
        %parallel_loop3A_428 = arith.constant 0 : i32
        %parallel_loop3A_429 = arith.addi %parallel_loop3A_151, %parallel_loop3A_428 : i32
        %parallel_loop3A_430 = arith.index_cast %parallel_loop3A_125 : i32 to index
        %parallel_loop3A_431 = arith.index_cast %parallel_loop3A_429 : i32 to index
        %parallel_loop3A_432 = tpu.vector_load %arg7[%parallel_loop3A_430, %parallel_loop3A_431] {strides = array<i32>} : memref<8x2048xf32, #tpu.memory_space<vmem>>, vector<16xf32>,
        tpu.vector_store %arg7[%parallel_loop3A_430, %parallel_loop3A_431], %parallel_loop3A_398 {strides = array<i32>} : memref<8x2048xf32, #tpu.memory_space<vmem>>, vector<16xf32>,
        %parallel_loop3A_433 = arith.constant 16 : i32
        %parallel_loop3A_434 = arith.addi %parallel_loop3A_151, %parallel_loop3A_433 : i32
        %parallel_loop3A_435 = arith.index_cast %parallel_loop3A_125 : i32 to index
        %parallel_loop3A_436 = arith.index_cast %parallel_loop3A_434 : i32 to index
        %parallel_loop3A_437 = tpu.vector_load %arg7[%parallel_loop3A_435, %parallel_loop3A_436] {strides = array<i32>} : memref<8x2048xf32, #tpu.memory_space<vmem>>, vector<16xf32>,
        tpu.vector_store %arg7[%parallel_loop3A_435, %parallel_loop3A_436], %parallel_loop3A_402 {strides = array<i32>} : memref<8x2048xf32, #tpu.memory_space<vmem>>, vector<16xf32>,
        %parallel_loop3A_438 = arith.constant 32 : i32
        %parallel_loop3A_439 = arith.addi %parallel_loop3A_151, %parallel_loop3A_438 : i32
        %parallel_loop3A_440 = arith.index_cast %parallel_loop3A_125 : i32 to index
        %parallel_loop3A_441 = arith.index_cast %parallel_loop3A_439 : i32 to index
        %parallel_loop3A_442 = tpu.vector_load %arg7[%parallel_loop3A_440, %parallel_loop3A_441] {strides = array<i32>} : memref<8x2048xf32, #tpu.memory_space<vmem>>, vector<16xf32>,
        tpu.vector_store %arg7[%parallel_loop3A_440, %parallel_loop3A_441], %parallel_loop3A_406 {strides = array<i32>} : memref<8x2048xf32, #tpu.memory_space<vmem>>, vector<16xf32>,
        %parallel_loop3A_443 = arith.constant 48 : i32
        %parallel_loop3A_444 = arith.addi %parallel_loop3A_151, %parallel_loop3A_443 : i32
        %parallel_loop3A_445 = arith.index_cast %parallel_loop3A_125 : i32 to index
        %parallel_loop3A_446 = arith.index_cast %parallel_loop3A_444 : i32 to index
        %parallel_loop3A_447 = tpu.vector_load %arg7[%parallel_loop3A_445, %parallel_loop3A_446] {strides = array<i32>} : memref<8x2048xf32, #tpu.memory_space<vmem>>, vector<16xf32>,
        tpu.vector_store %arg7[%parallel_loop3A_445, %parallel_loop3A_446], %parallel_loop3A_410 {strides = array<i32>} : memref<8x2048xf32, #tpu.memory_space<vmem>>, vector<16xf32>,
        %parallel_loop3A_448 = arith.constant 64 : i32
        %parallel_loop3A_449 = arith.addi %parallel_loop3A_151, %parallel_loop3A_448 : i32
        %parallel_loop3A_450 = arith.index_cast %parallel_loop3A_125 : i32 to index
        %parallel_loop3A_451 = arith.index_cast %parallel_loop3A_449 : i32 to index
        %parallel_loop3A_452 = tpu.vector_load %arg7[%parallel_loop3A_450, %parallel_loop3A_451] {strides = array<i32>} : memref<8x2048xf32, #tpu.memory_space<vmem>>, vector<16xf32>,
        tpu.vector_store %arg7[%parallel_loop3A_450, %parallel_loop3A_451], %parallel_loop3A_414 {strides = array<i32>} : memref<8x2048xf32, #tpu.memory_space<vmem>>, vector<16xf32>,
        %parallel_loop3A_453 = arith.constant 80 : i32
        %parallel_loop3A_454 = arith.addi %parallel_loop3A_151, %parallel_loop3A_453 : i32
        %parallel_loop3A_455 = arith.index_cast %parallel_loop3A_125 : i32 to index
        %parallel_loop3A_456 = arith.index_cast %parallel_loop3A_454 : i32 to index
        %parallel_loop3A_457 = tpu.vector_load %arg7[%parallel_loop3A_455, %parallel_loop3A_456] {strides = array<i32>} : memref<8x2048xf32, #tpu.memory_space<vmem>>, vector<16xf32>,
        tpu.vector_store %arg7[%parallel_loop3A_455, %parallel_loop3A_456], %parallel_loop3A_418 {strides = array<i32>} : memref<8x2048xf32, #tpu.memory_space<vmem>>, vector<16xf32>,
        %parallel_loop3A_458 = arith.constant 96 : i32
        %parallel_loop3A_459 = arith.addi %parallel_loop3A_151, %parallel_loop3A_458 : i32
        %parallel_loop3A_460 = arith.index_cast %parallel_loop3A_125 : i32 to index
        %parallel_loop3A_461 = arith.index_cast %parallel_loop3A_459 : i32 to index
        %parallel_loop3A_462 = tpu.vector_load %arg7[%parallel_loop3A_460, %parallel_loop3A_461] {strides = array<i32>} : memref<8x2048xf32, #tpu.memory_space<vmem>>, vector<16xf32>,
        tpu.vector_store %arg7[%parallel_loop3A_460, %parallel_loop3A_461], %parallel_loop3A_422 {strides = array<i32>} : memref<8x2048xf32, #tpu.memory_space<vmem>>, vector<16xf32>,
        %parallel_loop3A_463 = arith.constant 112 : i32
        %parallel_loop3A_464 = arith.addi %parallel_loop3A_151, %parallel_loop3A_463 : i32
        %parallel_loop3A_465 = arith.index_cast %parallel_loop3A_125 : i32 to index
        %parallel_loop3A_466 = arith.index_cast %parallel_loop3A_464 : i32 to index
        %parallel_loop3A_467 = tpu.vector_load %arg7[%parallel_loop3A_465, %parallel_loop3A_466] {strides = array<i32>} : memref<8x2048xf32, #tpu.memory_space<vmem>>, vector<16xf32>,
        tpu.vector_store %arg7[%parallel_loop3A_465, %parallel_loop3A_466], %parallel_loop3A_426 {strides = array<i32>} : memref<8x2048xf32, #tpu.memory_space<vmem>>, vector<16xf32>,
      } {sc.loop_unroll_factor = 4 : i64, sc.parallel_access}
      %add3A_107 = arith.constant 1 : i32
      %add3A_108 = arith.addi %mul3A_64, %add3A_107 : i32
      %mul3A_109 = arith.constant 16 : i32
      %mul3A_110 = arith.muli %add3A_108, %mul3A_109 : i32
      %add3A_111 = arith.addi %mul3A_34, %mul3A_110 : i32
      %mul3A_112 = arith.constant 128 : i32
      %mul3A_113 = arith.muli %add3A_111, %mul3A_112 : i32
      %dma_start3A_114 = tpu.memref_slice %arg3[%mul3A_32, %mul3A_113] : memref<128x32768xf32, #tpu.memory_space<hbm>> -> memref<8x2048xf32, #tpu.memory_space<hbm>>
      %dma_start3A_115 = tpu.memref_slice %arg3[%mul3A_32, %mul3A_113] : memref<128x32768xf32, #tpu.memory_space<hbm>> -> memref<8x2048xf32, #tpu.memory_space<hbm>>
      tpu.enqueue_dma source(%arg7 : memref<8x2048xf32, #tpu.memory_space<vmem>>) target(%dma_start3A_115 : memref<8x2048xf32, #tpu.memory_space<hbm>>) target_semaphore(%arg11 : memref<!tpu.dma_semaphore, #tpu.memory_space<semaphore_mem>>)
      %add3A_116 = arith.constant 1 : i32
      %add3A_117 = arith.addi %scan3A_62, %add3A_116 : i32
      %lt3A_118 = arith.constant 4 : i32
      %lt3A_119 = arith.cmpi slt, %add3A_117, %lt3A_118 : i32
      %convert_element_type3A_120 = arith.extui %lt3A_119 : i1 to i32
      %cond3A_121 = arith.constant 0 : i32
      %cond3A_122 = arith.cmpi ne, %convert_element_type3A_120, %cond3A_121 : i32
      scf.if %cond3A_122 {
        %add3A_123 = arith.constant 3 : i32
        %add3A_124 = arith.addi %mul3A_64, %add3A_123 : i32
        %mul3A_125 = arith.constant 16 : i32
        %mul3A_126 = arith.muli %add3A_124, %mul3A_125 : i32
        %add3A_127 = arith.addi %mul3A_34, %mul3A_126 : i32
        %mul3A_128 = arith.constant 128 : i32
        %mul3A_129 = arith.muli %add3A_127, %mul3A_128 : i32
        %dma_start3A_130 = tpu.memref_slice %arg2[%mul3A_32, %mul3A_129] : memref<128x32768xf32, #tpu.memory_space<hbm>> -> memref<8x2048xf32, #tpu.memory_space<hbm>>
        %dma_start3A_131 = tpu.memref_slice %arg2[%mul3A_32, %mul3A_129] : memref<128x32768xf32, #tpu.memory_space<hbm>> -> memref<8x2048xf32, #tpu.memory_space<hbm>>
        tpu.enqueue_dma source(%dma_start3A_131 : memref<8x2048xf32, #tpu.memory_space<hbm>>) target(%arg5 : memref<8x2048xf32, #tpu.memory_space<vmem>>) target_semaphore(%arg9 : memref<!tpu.dma_semaphore, #tpu.memory_space<semaphore_mem>>)
      } else {
      }
    }
    %scan3A_50 = arith.constant 4 : i32
    %add3A_51 = arith.constant 96 : i32
    %add3A_52 = arith.addi %mul3A_34, %add3A_51 : i32
    %mul3A_53 = arith.constant 128 : i32
    %mul3A_54 = arith.muli %add3A_52, %mul3A_53 : i32
    %dma_wait3A = tpu.memref_slice %arg3[%mul3A_32, %mul3A_54] : memref<128x32768xf32, #tpu.memory_space<hbm>> -> memref<8x2048xf32, #tpu.memory_space<hbm>>
    %dma_wait3A_55 = tpu.memref_slice %arg3[%mul3A_32, %mul3A_54] : memref<128x32768xf32, #tpu.memory_space<hbm>> -> memref<8x2048xf32, #tpu.memory_space<hbm>>
    tpu.wait_dma2 semaphore(%arg10 : memref<!tpu.dma_semaphore, #tpu.memory_space<semaphore_mem>>) src(%arg6 : memref<8x2048xf32, #tpu.memory_space<vmem>>) dst(%dma_wait3A_55 : memref<8x2048xf32, #tpu.memory_space<hbm>>)
    %add3A_56 = arith.constant 112 : i32
    %add3A_57 = arith.addi %mul3A_34, %add3A_56 : i32
    %mul3A_58 = arith.constant 128 : i32
    %mul3A_59 = arith.muli %add3A_57, %mul3A_58 : i32
    %dma_wait3A_60 = tpu.memref_slice %arg3[%mul3A_32, %mul3A_59] : memref<128x32768xf32, #tpu.memory_space<hbm>> -> memref<8x2048xf32, #tpu.memory_space<hbm>>
    %dma_wait3A_61 = tpu.memref_slice %arg3[%mul3A_32, %mul3A_59] : memref<128x32768xf32, #tpu.memory_space<hbm>> -> memref<8x2048xf32, #tpu.memory_space<hbm>>
    tpu.wait_dma2 semaphore(%arg11 : memref<!tpu.dma_semaphore, #tpu.memory_space<semaphore_mem>>) src(%arg7 : memref<8x2048xf32, #tpu.memory_space<vmem>>) dst(%dma_wait3A_61 : memref<8x2048xf32, #tpu.memory_space<hbm>>)
    return
  }
}

</mosaic_0001>

<sc_bundles>
// kernel: kernel.3.cloned.1.call-start
scs
__scs_entry_jumppad:
0x0: {  	(pc) =	sbr.rel $0x88, $3  }
0x1: {  	(tag) =	ssettag $0x0;
	lr =	simm.s32 $0x1  }
0x2: {  	[smem:$0x3FA0] =	sst lr;
	_ =	strace $0xD0000000  }
0x3: {  	_ = 	snop  }
0x4: {  	_ = 	snop  }
0x5: {  	_ = 	snop  }
0x6: {  	_ = 	snop  }
0x7: {  	_ = 	snop  }
__scs_overlays_trampoline_lowered:
0x8: {  	[smem:$0x3FAF] =	sst s0  }
0x9: {  	[smem:$0x3FB0] =	sst s1  }
0xa: {  	[smem:$0x3FB1] =	sst s2  }
0xb: {  	[smem:$0x3FB2] =	sst s3  }
0xc: {  	[smem:$0x3FB3] =	sst s4  }
0xd: {  	[smem:$0x3FB4] =	sst s5  }
0xe: {  	[smem:$0x3FB5] =	sst s6  }
0xf: {  	[smem:$0x3FB6] =	sst s7  }
0x10: {  	[smem:$0x3FB7] =	sst s8  }
0x11: {  	[smem:$0x3FB8] =	sst s9;
	s0 =	simm.s32 @!p0 $0x0  }
0x12: {  	s1 =	sld [smem:$0x3F9E];
	s0 =	simm.s32 @p0 $0x1  }
0x13: {  	[smem:$0x3FB9] =	sst s0;
	s0 =	simm.s32 @!p1 $0x0  }
0x14: {  	s2 =	sld [smem:$0x3F9D];
	s0 =	simm.s32 @p1 $0x1  }
0x15: {  	[smem:$0x3FBA] =	sst s0;
	s0 =	simm.s32 @!p2 $0x0  }
0x16: {  	s3 =	sld [smem:$0x3FDB];
	s0 =	simm.s32 @p2 $0x1  }
0x17: {  	s4 =	simm.s32 $0x1BF5;
	[smem:$0x3FBC] =	sst s0  }
0x18: {  	s0 =	sld [smem:$0x3F9F];
	_ =	swait.ge [sflag:s4], $0x0  }
0x19: {  	s7 =	sld [smem:$0x3FA0]  }
0x1a: {  	s8 =	sadd.s32 $0xFFFFE003, lr  }
0x1b: {  	s9 =	sadd.s32 $0xFFFFFEF7, lr;
	s5 =	simm.s32 $0xFFFFFFFF;
	p2 =	slt.u32 s8, $0xFFFFF086  }
0x1c: {  	p1 =	slt.u32 s9, $0xF7A;
	s5 =	simm.s32 @!p2 $0x0  }
0x1d: {  	s5 =	simm.s32 @p1 $0x1;
	p0 =	seq.s32 s7, s2  }
0x1e: {  	s7 =	smul.u32 @!p0 $0xF7A, s2;
	p2 =	seq.s32 @!p0 s5, $0x0  }
0x1f: {  	s9 =	smul.u32 $0xF7A, s1;
	s8 =	simm.s32 @!p0 $0x1BF5;
	p2 =	por !p2, p0  }
0x20: {  	[sflag:s8] =	ssyncset.s32 @!p0 $0xFFFFF086;
	s6 =	sadd.s32 @!p0 s3, s7;
	s7 =	simm.s32 @!p0 $0x108  }
0x21: {  	s3 =	sadd.s32 s3, s9;
	s6 =	sadd.s32 @!p0 $0x88, s6;
	s7 =	simm.s32 @p2 $0x1082  }
0x22: {  	[simem:s7], [sflag:s8] =	dma.local @!p0 [hbm:s6], $0xF7A  }
0x23: {  	s9 =	sor.u32 $0xD0000000, s2;
	s6 =	simm.s32 $0x108;
	_ =	swait.ge @!p0 [sflag:s8], $0x0  }
0x24: {  	s3 =	sadd.s32 $0x88, s3;
	s6 =	simm.s32 @!p1 $0x1082;
	[sflag:s4] =	ssyncset.s32 $0xFFFFF086  }
0x25: {  	[simem:s6], [sflag:s4] =	dma.local [hbm:s3], $0xF7A  }
0x26: {  	[smem:$0x3FA0] =	sst s1;
	(tag) =	ssettag s2;
	_ =	strace s9  }
0x27: {  	s1 =	sld [smem:$0x3FB0]  }
0x28: {  	s2 =	sld [smem:$0x3FB1]  }
0x29: {  	s4 =	sld [smem:$0x3FB3]  }
0x2a: {  	p0 =	seq.s32 s5, $0x0;
	s5 =	sld [smem:$0x3FB4]  }
0x2b: {  	s6 =	sld [smem:$0x3FB5]  }
0x2c: {  	s7 =	sld [smem:$0x3FB6]  }
0x2d: {  	s3 =	simm.s32 $0x108;
	s8 =	sld [smem:$0x3FB7]  }
0x2e: {  	s3 =	simm.s32 @!p0 $0x1082;
	s9 =	sld [smem:$0x3FB8]  }
0x2f: {  	lr =	sadd.s32 s0, s3;
	s0 =	sld [smem:$0x3FAF]  }
0x30: {  	s3 =	sld [smem:$0x3FB2]  }
0x31: {  	[smem:$0x3FBB] =	sst s10  }
0x32: {  	s10 =	sld [smem:$0x3FB9];
	_ =	sdelay $0x3  }
0x33: {  	p0 =	seq.s32 s10, $0x1;
	s10 =	sld [smem:$0x3FBB];
	_ =	sdelay $0x3  }
0x34: {  	[smem:$0x3FBB] =	sst s10  }
0x35: {  	s10 =	sld [smem:$0x3FBA];
	_ =	sdelay $0x3  }
0x36: {  	p1 =	seq.s32 s10, $0x1;
	s10 =	sld [smem:$0x3FBB];
	_ =	sdelay $0x3  }
0x37: {  	[smem:$0x3FBB] =	sst s10  }
0x38: {  	s10 =	sld [smem:$0x3FBC]  }
0x39: {  	_ = 	snop;
	(pc) =	sbr.ind lr, $3  }
0x3a: {  	_ = 	snop  }
0x3b: {  	_ = 	snop  }
0x3c: {  	p2 =	seq.s32 s10, $0x1;
	s10 =	sld [smem:$0x3FBB]  }
0x3d: {  	_ =	shalt  }
0x3e: {  	_ =	shalt  }
0x3f: {  	_ =	shalt  }
0x40: {  	_ =	shalt  }
0x41: {  	_ =	shalt  }
0x42: {  	_ =	shalt  }
0x43: {  	_ =	shalt  }
0x44: {  	_ =	shalt  }
0x45: {  	_ =	shalt  }
0x46: {  	_ =	shalt  }
0x47: {  	_ =	shalt  }
0x48: {  	_ =	shalt  }
0x49: {  	_ =	shalt  }
0x4a: {  	_ =	shalt  }
0x4b: {  	_ =	shalt  }
0x4c: {  	_ =	shalt  }
0x4d: {  	_ =	shalt  }
0x4e: {  	_ =	shalt  }
0x4f: {  	_ =	shalt  }
0x50: {  	_ =	shalt  }
0x51: {  	_ =	shalt  }
0x52: {  	_ =	shalt  }
0x53: {  	_ =	shalt  }
0x54: {  	_ =	shalt  }
0x55: {  	_ =	shalt  }
0x56: {  	_ =	shalt  }
0x57: {  	_ =	shalt  }
0x58: {  	_ =	shalt  }
0x59: {  	_ =	shalt  }
0x5a: {  	_ =	shalt  }
0x5b: {  	_ =	shalt  }
0x5c: {  	_ =	shalt  }
0x5d: {  	_ =	shalt  }
0x5e: {  	_ =	shalt  }
0x5f: {  	_ =	shalt  }
0x60: {  	_ =	shalt  }
0x61: {  	_ =	shalt  }
0x62: {  	_ =	shalt  }
0x63: {  	_ =	shalt  }
0x64: {  	_ =	shalt  }
0x65: {  	_ =	shalt  }
0x66: {  	_ =	shalt  }
0x67: {  	_ =	shalt  }
0x68: {  	_ =	shalt  }
0x69: {  	_ =	shalt  }
0x6a: {  	_ =	shalt  }
0x6b: {  	_ =	shalt  }
0x6c: {  	_ =	shalt  }
0x6d: {  	_ =	shalt  }
0x6e: {  	_ =	shalt  }
0x6f: {  	_ =	shalt  }
0x70: {  	_ =	shalt  }
0x71: {  	_ =	shalt  }
0x72: {  	_ =	shalt  }
0x73: {  	_ =	shalt  }
0x74: {  	_ =	shalt  }
0x75: {  	_ =	shalt  }
0x76: {  	_ =	shalt  }
0x77: {  	_ =	shalt  }
0x78: {  	_ =	shalt  }
0x79: {  	_ =	shalt  }
0x7a: {  	_ =	shalt  }
0x7b: {  	_ =	shalt  }
0x7c: {  	_ =	shalt  }
0x7d: {  	_ =	shalt  }
0x7e: {  	_ =	shalt  }
0x7f: {  	_ =	shalt  }
0x80: {  	_ =	shalt  }
0x81: {  	_ =	shalt  }
0x82: {  	_ =	shalt  }
0x83: {  	_ =	shalt  }
0x84: {  	_ =	shalt  }
0x85: {  	_ =	shalt  }
0x86: {  	_ =	shalt  }
0x87: {  	_ =	shalt  }
.Lfunc_end0:
.L_simem_size_0:
called_computation_lowered:
.L_overlay_start_0:
0x88: {  	s2 =	sld [smem:$0x3FD9]  }
0x89: {  	s3 =	sld [smem:$0x3FFE];
	_ =	sdelay $0x1  }
0x8a: {  	s1 =	srdreg.scid  }
0x8b: {  	s0 =	sand.u32 $0x1, s1  }
0x8c: {  	s18 =	sshll.u32 s0, $0xA;
	s2 =	sadd.s32 s3, s2  }
0x8d: {  	s2 =	sadd.s32 s2, s18  }
0x8e: {  	[smem:$0x3FC7] =	sst s2  }
0x8f: {  	_ = 	snop  }
0x90: {  	s2 =	sld [smem:$0x3FC9]  }
0x91: {  	s19 =	sld [smem:$0x3FD0];
	(tm) =	ssettm $0x1  }
0x92: {  	s4 =	sld [smem:$0x3FFB];
	_ =	sdelay $0x3  }
0x93: {  	_ =	strace s4  }
0x94: {  	s4 =	sld [smem:$0x3FFC];
	_ =	sdelay $0x3  }
0x95: {  	_ =	strace s4  }
0x96: {  	s4 =	sld [smem:$0x3FFD];
	_ =	sdelay $0x3  }
0x97: {  	_ =	strace s4  }
0x98: {  	_ =	strace $0x8FFFFFFF  }
0x99: {  	s20 =	sld [smem:$0x3FDB];
	_ =	sdelay $0x1  }
0x9a: {  	s5 =	simm.s32 $_scs_section_size  }
0x9b: {  	s6 =	simm.s32 $_size__tile_overlayer_lowered;
	s7 =	simm.s32 $_tile_overlayer_lowered  }
0x9c: {  	s23 =	simm.s32 $0x1BFF;
	s22 =	sshll.u32 s7, $0x1;
	s4 =	sadd.s32 s5, s20  }
0x9d: {  	s8 =	simm.s32 $0x0;
	s21 =	sshll.u32 s6, $0x1;
	s6 =	sadd.s32 s22, s4  }
0x9e: {  	[timem:s8], [sflag:s23] =	dma.local [hbm:s6], s21  }
0x9f: {  	_ =	swait.ge [sflag:s23], s21  }
0xa0: {  	s5 =	ssub.s32 $0x0, s21;
	[sflag:s23] =	ssyncset.done $0x0  }
0xa1: {  	[sflag:s23] =	ssyncadd.s32 s5;
	_ =	sdelay $0x1  }
0xa2: {  	s24 =	simm.s32 $0x1B8B  }
0xa3: {  	_ =	swait.ge [sflag:s24], $0x1  }
0xa4: {  	[sflag:s24] =	ssyncset.done $0x0  }
0xa5: {  	s25 =	simm.s32 $0x1B8E;
	[sflag:s24] =	ssyncadd.s32 $0xFFFFFFFF  }
0xa6: {  	s26 =	simm.s32 $execute0_lowered;
	[smem:$0x3FD2] =	sst s25  }
0xa7: {  	s5 =	sshll.u32 s26, $0x1;
	_ =	strace $0x80000046;
	[dreg:$0x1] =	wrdreg $0xFFFFFFFF  }
0xa8: {  	s28 =	simm.s32 $_size_execute0_lowered;
	s4 =	sadd.s32 s4, s5;
	[dreg:$0x0] =	wrdreg $0x0  }
0xa9: {  	s5 =	sshll.u32 s28, $0x1;
	[dreg:$0x2] =	wrdreg s4  }
0xaa: {  	[dreg:$0x3] =	wrdreg s5  }
0xab: {  	[dreg:$0x4] =	wrdreg $0xC0  }
0xac: {  	_ =	task [dreg:s8], $0x5FFFF  }
0xad: {  	[dreg:$0x1] =	wrdreg $0xFFFFFFFF  }
0xae: {  	[dreg:$0x0] =	wrdreg $0x60  }
0xaf: {  	[dreg:$0x2] =	wrdreg s2  }
0xb0: {  	[dreg:$0x3] =	wrdreg s19  }
0xb1: {  	[dreg:$0x4] =	wrdreg $0x9  }
0xb2: {  	_ =	task.clear_ibuf [dreg:s8], $0x5FFFF;
	_ =	strace $0x90000046  }
0xb3: {  	s29 =	simm.s32 $0x9;
	_ =	strace $0x80000048  }
0xb4: {  	_ =	swait.ge [sflag:s29], $0x1  }
0xb5: {  	[sflag:s29] =	ssyncadd.s32 $0xFFFFFFFF  }
0xb6: {  	_ =	strace $0x90000048  }
0xb7: {  	_ =	sfence  }
0xb8: {  	s30 =	sld [smem:$0x0];
	_ =	sdelay $0x2  }
0xb9: {  	s31 =	sshll.u32 s1, $0xD;
	s1 =	sshrl.u32 s1, $0x2  }
0xba: {  	s3 =	sand.u32 $0x4000, s31;
	s1 =	sadd.s32 s1, s30  }
0xbb: {  	s0 =	sor.u32 s3, s0;
	s1 =	sshll.u32 s1, $0x11  }
0xbc: {  	s0 =	sor.u32 s1, s0  }
0xbd: {  	s0 =	sadd.s32 $0x8F2B, s0  }
0xbe: {  	[sflag:s0] =	ssyncadd.remote.s32 $0x1  }
0xbf: {  	_ =	sfence.sel $0xFFFF  }
0xc0: {  	[dreg:$0x0] =	wrdreg $0xFFFFFFFF;
	(pc) =	sbr.abs _section_cstart, $3  }
0xc1: {  	[dreg:$0x1] =	wrdreg $0xFFFFFFFF  }
0xc2: {  	_ =	task.clear_ibuf [dreg:s8], $0x2FFFF;
	_ =	strace $0x9FFFFFFF  }
0xc3: {  	(tm) =	ssettm $0x7FFFFFFF  }
tec
execute0_lowered:
.L_overlay_start_1:
0x0: {  	(tag) =	ssettag $0x1  }
0x1: {  	s1 =	srdreg.scid;
	s0 =	stileid.u32  }
0x2: {  	s2 =	rddreg [dreg:$0x0];
	s4 =	simm.s32 $0x1;
	s7 =	sand.u32 $0x1, s1  }
0x3: {  	s3 =	rddreg [dreg:$0x1];
	s14 =	simm.s32 $0x4000;
	s1 =	sor.u32 s7, s0  }
0x4: {  	s15 =	simm.s32 $0x8000;
	p1 =	seq.s32 s7, $0x1;
	p0 =	seq.s32 s1, $0x0  }
0x5: {  	s16 =	simm.s32 $0x2;
	s17 =	simm.s32 $0xC000;
	p0 =	por !p0, !p1  }
0x6: {  	s18 =	simm.s32 $0x3;
	s19 =	simm.s32 $0x4;
	p0 =	por !p0, !p0  }
0x7: {  	s20 =	simm.s32 $0x0;
	s6 =	sshll.u32 s7, $0x11;
	s4 =	simm.s32 @!p0 $0x0  }
0x8: {  	s8 =	ssub.s32 $0x2, s7;
	s7 =	sshll.u32 s7, $0x7;
	s5 =	ssub.s32 s0, s4  }
0x9: {  	s1 =	rddreg [dreg:$0x2];
	s9 =	sshrl.u32 s8, $0x1;
	s5 =	sshll.u32 s5, $0x12  }
0xa: {  	v0 =	vlaneseq.u32;
	s11 =	sor.u32 $0x20, s7;
	s12 =	sor.u32 $0x30, s7;
	s6 =	sor.u32 s6, s5  }
0xb: {  	v0 =	vmul.u32 $0xFFFFFFFF, v0;
	s13 =	ssub.s32 s8, s9;
	s4 =	simm.s32 $0x0;
	s10 =	sshrl.u32 s6, $0x3  }
0xc: {  	s9 =	simm.s32 $0x1;
	[smem:$0x7FF] =	sst s4;
	s8 =	sadd.s32 s2, s10  }
0xd: {  	v0 =	vadd.s32 $0xF, v0;
	s13 =	smax.u32 s13, $0x1;
	_ =	strace $0x80000047;
	s10 =	sadd.s32 $0x800, s8  }
.LBB2_1:
0xe: {  	[tilespmem:s4], [sflag:$0x1] =	stream.linear.gather [hbm4b:s8+s4], $0x4000, $0x38;
	[tilespmem:$0x10000] =	vst v63  }
0xf: {  	s21 =	simm.s32 $0x0  }
0x10: {  	[tilespmem:s14], [sflag:$0x2] =	stream.linear.gather [hbm4b:s10+s4], $0x4000, $0x38;
	[tilespmem:$0x10000] =	vst v63  }
.LBB2_2:
0x11: {  	p0 =	seq.s32 s21, $0x0  }
0x12: {  	s22 =	simm.s32 @!p0 $0x3  }
0x13: {  	_ =	swait.ge @!p0 [sflag:s22], $0x4000  }
0x14: {  	[sflag:s22] =	ssyncset.done @!p0 $0x0  }
0x15: {  	[sflag:s22] =	ssyncadd.s32 @!p0 $0xFFFFC000  }
0x16: {  	_ =	swait.ge [sflag:s9], $0x4000  }
0x17: {  	[sflag:s9] =	ssyncset.done $0x0  }
0x18: {  	s31 =	simm.s32 $0x100;
	[sflag:s9] =	ssyncadd.s32 $0xFFFFC000  }
0x19: {  	v1 =	vld [tilespmem:s31+$0x90]  }
0x1a: {  	v2 =	vld [tilespmem:s31+$0x80]  }
0x1b: {  	v3 =	vld [tilespmem:s31+$0xB0];
	_ =	sdelay $0x1  }
0x1c: {  	v4 =	vld [tilespmem:s31+$0xA0]  }
0x1d: {  	v5 =	vld [tilespmem:s31+$0xF0];
	(xrf1) =	vsort.ascd.msk.f32 $0xffff, v1, v1  }
0x1e: {  	v6 =	vld [tilespmem:s31+$0xD0];
	(xrf1) =	vsort.ascd.msk.f32 $0xffff, v2, v2  }
0x1f: {  	v1 =	vld [tilespmem:s31+$0xE0];
	(xrf1) =	vsort.ascd.msk.f32 $0xffff, v3, v3  }
0x20: {  	v2 =	vld [tilespmem:s31+$0xFFFFFF70]  }
0x21: {  	v3 =	vld [tilespmem:s31+$0xC0];
	(xrf1) =	vsort.ascd.msk.f32 $0xffff, v4, v4  }
0x22: {  	v4 =	vld [tilespmem:s31+$0xFFFFFFF0];
	(xrf1) =	vsort.ascd.msk.f32 $0xffff, v5, v5  }
0x23: {  	v5 =	vld [tilespmem:s31+$0x70];
	(xrf1) =	vsort.ascd.msk.f32 $0xffff, v6, v6  }
0x24: {  	v6 =	vld [tilespmem:s31+$0xFFFFFF30];
	(xrf1) =	vsort.ascd.msk.f32 $0xffff, v1, v1  }
0x25: {  	v1 =	vld [tilespmem:s31+$0xFFFFFF50];
	(xrf1) =	vsort.ascd.msk.f32 $0xffff, v2, v2  }
0x26: {  	v2 =	vld [tilespmem:s31+$0xFFFFFF60];
	(xrf1) =	vsort.ascd.msk.f32 $0xffff, v3, v3  }
0x27: {  	v3 =	vld [tilespmem:s31+$0xFFFFFFB0];
	(xrf1) =	vsort.ascd.msk.f32 $0xffff, v4, v4  }
0x28: {  	v4 =	vld [tilespmem:s31+$0xFFFFFFD0];
	(xrf1) =	vsort.ascd.msk.f32 $0xffff, v5, v5  }
0x29: {  	v5 =	vld [tilespmem:s31+$0xFFFFFFE0];
	(xrf1) =	vsort.ascd.msk.f32 $0xffff, v6, v6  }
0x2a: {  	v6 =	vld [tilespmem:s31+$0x30];
	(xrf1) =	vsort.ascd.msk.f32 $0xffff, v1, v1  }
0x2b: {  	(xrf1) =	vsort.ascd.msk.f32 $0xffff, v2, v2;
	v1, _, _ =	vpop (xrf1)  }
0x2c: {  	(xrf1) =	vsort.ascd.msk.f32 $0xffff, v3, v3;
	v2, _, _ =	vpop (xrf1)  }
0x2d: {  	v1 =	vperm.xlane v1, v0;
	(xrf1) =	vsort.ascd.msk.f32 $0xffff, v4, v4;
	v3, _, _ =	vpop (xrf1)  }
0x2e: {  	(xrf1) =	vsort.ascd.msk.f32 $0xffff, v5, v5;
	v3 =	vperm.xlane v3, v0  }
0x2f: {  	v4 =	vmin.f32 v2, v1;
	(xrf1) =	vsort.ascd.msk.f32 $0xffff, v6, v6;
	v5, _, _ =	vpop (xrf1)  }
0x30: {  	v1 =	vmax.f32 v2, v1;
	v2, _, _ =	vpop (xrf1);
	(xrf1) =	vsort.ascd.msk.f32 $0xffff, v4, v4  }
0x31: {  	v4 =	vmin.f32 v5, v3;
	v2 =	vperm.xlane v2, v0;
	v6, _, _ =	vpop (xrf1);
	(xrf1) =	vsort.ascd.msk.f32 $0xffff, v1, v1  }
0x32: {  	v1 =	vmax.f32 v5, v3;
	v5 =	vperm.xlane v6, v0;
	v3, _, _ =	vpop (xrf1);
	(xrf1) =	vsort.ascd.msk.f32 $0xffff, v4, v4  }
0x33: {  	v4 =	vld [tilespmem:s31+$0x50];
	v6 =	vmax.f32 v3, v2;
	v7, _, _ =	vpop (xrf1);
	(xrf1) =	vsort.ascd.msk.f32 $0xffff, v1, v1  }
0x34: {  	v1 =	vld [tilespmem:s31+$0x60];
	v2 =	vmin.f32 v3, v2;
	v3, _, _ =	vpop (xrf1);
	(xrf1) =	vsort.ascd.msk.f32 $0xffff, v6, v6  }
0x35: {  	v6 =	vld [tilespmem:s31+$0xFFFFFF10];
	v8 =	vmin.f32 v3, v5;
	v9, _, _ =	vpop (xrf1);
	(xrf1) =	vsort.ascd.msk.f32 $0xffff, v2, v2  }
0x36: {  	v2 =	vld [tilespmem:s31+$0xFFFFFF20];
	v3 =	vmax.f32 v3, v5;
	v5, _, _ =	vpop (xrf1);
	(xrf1) =	vsort.ascd.msk.f32 $0xffff, v8, v8  }
0x37: {  	v8 =	vld [tilespmem:s31+$0xFFFFFF40];
	v10, _, _ =	vpop (xrf1);
	(xrf1) =	vsort.ascd.msk.f32 $0xffff, v3, v3  }
0x38: {  	v3 =	vld [tilespmem:s31+$0xFFFFFF90];
	v11, _, _ =	vpop (xrf1);
	(xrf1) =	vsort.ascd.msk.f32 $0xffff, v4, v4  }
0x39: {  	v4 =	vld [tilespmem:s31+$0xFFFFFFA0];
	v12, _, _ =	vpop (xrf1);
	(xrf1) =	vsort.ascd.msk.f32 $0xffff, v1, v1  }
0x3a: {  	v1 =	vld [tilespmem:s31+$0xFFFFFFC0];
	(xrf1) =	vsort.ascd.msk.f32 $0xffff, v6, v6;
	v6, _, _ =	vpop (xrf1)  }
0x3b: {  	v13 =	vld [tilespmem:s31+$0x10];
	(xrf1) =	vsort.ascd.msk.f32 $0xffff, v2, v2;
	v2, _, _ =	vpop (xrf1)  }
0x3c: {  	v14 =	vld [tilespmem:s31+$0x20];
	(xrf1) =	vsort.ascd.msk.f32 $0xffff, v8, v8;
	v8, _, _ =	vpop (xrf1)  }
0x3d: {  	v15 =	vld [tilespmem:s31+$0x40];
	(xrf1) =	vsort.ascd.msk.f32 $0xffff, v3, v3;
	v3, _, _ =	vpop (xrf1)  }
0x3e: {  	v16 =	vld [tilespmem:s31+$0xFFFFFF00];
	(xrf1) =	vsort.ascd.msk.f32 $0xffff, v4, v4;
	v4, _, _ =	vpop (xrf1)  }
0x3f: {  	(xrf1) =	vsort.ascd.msk.f32 $0xffff, v1, v1;
	v1, _, _ =	vpop (xrf1)  }
0x40: {  	v7 =	vperm.xlane v7, v0;
	(xrf1) =	vsort.ascd.msk.f32 $0xffff, v13, v13;
	v23, _, _ =	vpop (xrf1)  }
0x41: {  	v9 =	vperm.xlane v9, v0;
	v5 =	vperm.xlane v5, v0;
	(xrf1) =	vsort.ascd.msk.f32 $0xffff, v14, v14;
	v24, _, _ =	vpop (xrf1)  }
0x42: {  	v13 =	vperm.xlane v23, v0;
	v14 =	vperm.xlane v24, v0;
	(xrf1) =	vsort.ascd.msk.f32 $0xffff, v15, v15;
	v25, _, _ =	vpop (xrf1)  }
0x43: {  	v10 =	vperm.xlane v10, v0;
	v15 =	vperm.xlane v25, v0;
	(xrf1) =	vsort.ascd.msk.f32 $0xffff, v16, v16;
	v26, _, _ =	vpop (xrf1)  }
0x44: {  	v18 =	vmin.f32 v1, v13;
	v17 =	vmin.f32 v4, v14;
	v16 =	vperm.xlane v26, v0;
	v19, _, _ =	vpop (xrf1)  }
0x45: {  	v20 =	vmin.f32 v17, v18;
	v21 =	vmin.f32 v19, v15;
	v15 =	vmax.f32 v19, v15;
	v27, _, _ =	vpop (xrf1)  }
0x46: {  	v17 =	vmax.f32 v17, v18;
	v28 =	vmin.f32 v27, v16;
	(xrf1) =	vsort.ascd.msk.f32 $0xffff, v20, v20  }
0x47: {  	v16 =	vmax.f32 v27, v16;
	v29 =	vmin.f32 v21, v28;
	(xrf1) =	vsort.ascd.msk.f32 $0xffff, v17, v17  }
0x48: {  	v11 =	vperm.xlane v11, v0;
	v30, _, _ =	vpop (xrf1);
	v31 =	vmin.f32 v15, v16;
	(xrf1) =	vsort.ascd.msk.f32 $0xffff, v29, v29  }
0x49: {  	v32 =	vld [tilespmem:s31+$0xFFFFFF80];
	v1 =	vmax.f32 v1, v13;
	v22, _, _ =	vpop (xrf1);
	v33 =	vmax.f32 v15, v16;
	(xrf1) =	vsort.ascd.msk.f32 $0xffff, v31, v31  }
0x4a: {  	v34 =	vld [tilespmem:s31+$0x0];
	v4 =	vmax.f32 v4, v14;
	v36 =	vmax.f32 v21, v28;
	v35, _, _ =	vpop (xrf1);
	(xrf1) =	vsort.ascd.msk.f32 $0xffff, v33, v33  }
0x4b: {  	v37 =	vmin.f32 v12, v7;
	v39 =	vmin.f32 v4, v1;
	v38, _, _ =	vpop (xrf1);
	(xrf1) =	vsort.ascd.msk.f32 $0xffff, v36, v36  }
0x4c: {  	v7 =	vmax.f32 v12, v7;
	v1 =	vmax.f32 v4, v1;
	v40, _, _ =	vpop (xrf1);
	(xrf1) =	vsort.ascd.msk.f32 $0xffff, v39, v39  }
0x4d: {  	v2 =	vperm.xlane v2, v0;
	v4 =	vperm.xlane v6, v0;
	v6, _, _ =	vpop (xrf1);
	(xrf1) =	vsort.ascd.msk.f32 $0xffff, v1, v1  }
0x4e: {  	v3 =	vperm.xlane v3, v0;
	v44 =	vperm.xlane v30, v0;
	v41, _, _ =	vpop (xrf1);
	(xrf1) =	vsort.ascd.msk.f32 $0xffff, v32, v32  }
0x4f: {  	v42 =	vmin.f32 v22, v5;
	v5 =	vmax.f32 v22, v5;
	v43, _, _ =	vpop (xrf1);
	(xrf1) =	vsort.ascd.msk.f32 $0xffff, v34, v34  }
0x50: {  	v46 =	vmin.f32 v38, v10;
	v10 =	vmax.f32 v38, v10;
	v45, _, _ =	vpop (xrf1);
	(xrf1) =	vsort.ascd.msk.f32 $0xffff, v37, v37  }
0x51: {  	v53 =	vperm.xlane v6, v0;
	v1 =	vmin.f32 v8, v9;
	v47, _, _ =	vpop (xrf1);
	(xrf1) =	vsort.ascd.msk.f32 $0xffff, v7, v7  }
0x52: {  	v8 =	vmax.f32 v8, v9;
	v9 =	vmax.f32 v41, v4;
	v48, _, _ =	vpop (xrf1);
	(xrf1) =	vsort.ascd.msk.f32 $0xffff, v1, v1  }
0x53: {  	v54 =	vperm.xlane v45, v0;
	v1 =	vmin.f32 v41, v4;
	v4, _, _ =	vpop (xrf1);
	(xrf1) =	vsort.ascd.msk.f32 $0xffff, v8, v8  }
0x54: {  	v50 =	vmin.f32 v47, v3;
	v18 =	vmax.f32 v47, v3;
	(xrf1) =	vsort.ascd.msk.f32 $0xffff, v42, v42;
	v49, _, _ =	vpop (xrf1)  }
0x55: {  	v3 =	vperm.xlane v35, v0;
	v7 =	vmin.f32 v40, v11;
	(xrf1) =	vsort.ascd.msk.f32 $0xffff, v5, v5;
	v51, _, _ =	vpop (xrf1)  }
0x56: {  	v11 =	vmax.f32 v40, v11;
	v52 =	vmin.f32 v48, v44;
	(xrf1) =	vsort.ascd.msk.f32 $0xffff, v46, v46;
	v5, _, _ =	vpop (xrf1)  }
0x57: {  	v12 =	vmax.f32 v48, v44;
	v8 =	vmin.f32 v43, v2;
	(xrf1) =	vsort.ascd.msk.f32 $0xffff, v10, v10;
	v6, _, _ =	vpop (xrf1)  }
0x58: {  	v2 =	vmax.f32 v43, v2;
	v55 =	vmin.f32 v4, v3;
	(xrf1) =	vsort.ascd.msk.f32 $0xffff, v7, v7;
	v7, _, _ =	vpop (xrf1)  }
0x59: {  	v24 =	vmax.f32 v4, v3;
	v59 =	vperm.xlane v5, v0;
	v57 =	vperm.xlane v6, v0;
	v6, _, _ =	vpop (xrf1)  }
0x5a: {  	v56 =	vperm.xlane v7, v0;
	(xrf1) =	vsort.ascd.msk.f32 $0xffff, v11, v11;
	v58 =	vperm.xlane v6, v0  }
0x5b: {  	(xrf1) =	vsort.ascd.msk.f32 $0xffff, v1, v1;
	v23, _, _ =	vpop (xrf1);
	v5 =	vmax.f32 v51, v57;
	v17 =	vmin.f32 v51, v57  }
0x5c: {  	v4 =	vmax.f32 v49, v56;
	(xrf1) =	vsort.ascd.msk.f32 $0xffff, v9, v9;
	v60, _, _ =	vpop (xrf1);
	v13 =	vmin.f32 v49, v56  }
0x5d: {  	v7 =	vmax.f32 v23, v58;
	v6 =	vmax.f32 v60, v59;
	v25, _, _ =	vpop (xrf1);
	(xrf1) =	vsort.ascd.msk.f32 $0xffff, v8, v8  }
0x5e: {  	v11 =	vmin.f32 v23, v58;
	v1 =	vmax.f32 v4, v7;
	v3 =	vmax.f32 v5, v6;
	v8, _, _ =	vpop (xrf1)  }
0x5f: {  	v9 =	vmin.f32 v60, v59;
	(xrf1) =	vsort.ascd.msk.f32 $0xffff, v2, v2;
	v61 =	vmax.f32 v1, v3;
	v26, _, _ =	vpop (xrf1)  }
0x60: {  	v2 =	vmin.f32 v25, v53;
	v14 =	vmax.f32 v25, v53;
	v62, _, _ =	vpop (xrf1);
	(xrf1) =	vsort.ascd.msk.f32 $0xffff, v61, v61  }
0x61: {  	v21 =	vmin.f32 v13, v11;
	v11 =	vmax.f32 v13, v11;
	v27, _, _ =	vpop (xrf1);
	(xrf1) =	vsort.ascd.msk.f32 $0xffff, v50, v50  }
0x62: {  	v4 =	vmin.f32 v4, v7;
	v5 =	vmin.f32 v5, v6;
	v28, _, _ =	vpop (xrf1);
	(xrf1) =	vsort.ascd.msk.f32 $0xffff, v18, v18  }
0x63: {  	v63 =	vmin.f32 v8, v54;
	v8 =	vmax.f32 v8, v54;
	(xrf1) =	vsort.ascd.msk.f32 $0xffff, v52, v52;
	v30, _, _ =	vpop (xrf1)  }
0x64: {  	v1 =	vmin.f32 v1, v3;
	v26 =	vperm.xlane v26, v0;
	(xrf1) =	vsort.ascd.msk.f32 $0xffff, v12, v12;
	v32, _, _ =	vpop (xrf1)  }
0x65: {  	v25 =	vperm.xlane v62, v0;
	v29 =	vperm.xlane v27, v0;
	v33, _, _ =	vpop (xrf1);
	(xrf1) =	vsort.ascd.msk.f32 $0xffff, v55, v55  }
0x66: {  	v19 =	vperm.xlane v28, v0;
	v31 =	vperm.xlane v30, v0;
	v35, _, _ =	vpop (xrf1);
	(xrf1) =	vsort.ascd.msk.f32 $0xffff, v24, v24  }
0x67: {  	v12 =	vperm.xlane v32, v0;
	v34 =	vperm.xlane v33, v0;
	v36, _, _ =	vpop (xrf1);
	(xrf1) =	vsort.ascd.msk.f32 $0xffff, v2, v2  }
0x68: {  	v22 =	vperm.xlane v35, v0;
	v2 =	vmin.f32 v36, v25;
	v37, _, _ =	vpop (xrf1);
	(xrf1) =	vsort.ascd.msk.f32 $0xffff, v14, v14  }
0x69: {  	v13 =	vmax.f32 v36, v25;
	v38 =	vmin.f32 v37, v26;
	v39, _, _ =	vpop (xrf1);
	(xrf1) =	vsort.ascd.msk.f32 $0xffff, v63, v63  }
0x6a: {  	v10 =	vmax.f32 v37, v26;
	v40 =	vmin.f32 v2, v38;
	v41, _, _ =	vpop (xrf1);
	(xrf1) =	vsort.ascd.msk.f32 $0xffff, v8, v8  }
0x6b: {  	v23 =	vperm.xlane v39, v0;
	v2 =	vmax.f32 v2, v38;
	v8 =	vmin.f32 v13, v10  }
0x6c: {  	v10 =	vmax.f32 v13, v10;
	v13 =	vmin.f32 v17, v9;
	v9 =	vmax.f32 v17, v9;
	v43, _, _ =	vpop (xrf1)  }
0x6d: {  	v42 =	vperm.xlane v41, v0;
	(xrf1) =	vsort.ascd.msk.f32 $0xffff, v40, v40;
	v6 =	vmin.f32 v21, v13;
	v45, _, _ =	vpop (xrf1)  }
0x6e: {  	v44 =	vmin.f32 v43, v19;
	v19 =	vmax.f32 v43, v19;
	(xrf1) =	vsort.ascd.msk.f32 $0xffff, v2, v2;
	v2, _, _ =	vpop (xrf1)  }
0x6f: {  	v46 =	vmin.f32 v45, v29;
	v18 =	vmax.f32 v45, v29;
	(xrf1) =	vsort.ascd.msk.f32 $0xffff, v8, v8;
	v47, _, _ =	vpop (xrf1)  }
0x70: {  	v8 =	vmin.f32 v44, v46;
	v16 =	vmax.f32 v44, v46;
	v48 =	vmin.f32 v19, v18;
	v50, _, _ =	vpop (xrf1)  }
0x71: {  	v18 =	vmax.f32 v19, v18;
	(xrf1) =	vsort.ascd.msk.f32 $0xffff, v10, v10;
	v49 =	vperm.xlane v47, v0;
	v52, _, _ =	vpop (xrf1)  }
0x72: {  	v51 =	vperm.xlane v50, v0;
	(xrf1) =	vsort.ascd.msk.f32 $0xffff, v8, v8;
	v50 =	vmax.f32 v21, v13;
	v53, _, _ =	vpop (xrf1)  }
0x73: {  	v8 =	vmin.f32 v52, v12;
	v12 =	vmax.f32 v52, v12;
	(xrf1) =	vsort.ascd.msk.f32 $0xffff, v16, v16;
	v55, _, _ =	vpop (xrf1)  }
0x74: {  	v54 =	vmin.f32 v53, v31;
	v17 =	vmax.f32 v53, v31;
	(xrf1) =	vsort.ascd.msk.f32 $0xffff, v48, v48;
	v58, _, _ =	vpop (xrf1)  }
0x75: {  	v53 =	vmin.f32 v11, v9;
	v56 =	vmin.f32 v8, v54;
	(xrf1) =	vsort.ascd.msk.f32 $0xffff, v18, v18;
	v60, _, _ =	vpop (xrf1)  }
0x76: {  	v9 =	vmax.f32 v11, v9;
	v8 =	vmax.f32 v8, v54;
	(xrf1) =	vsort.ascd.msk.f32 $0xffff, v56, v56;
	v63, _, _ =	vpop (xrf1)  }
0x77: {  	v57 =	vmin.f32 v12, v17;
	v59 =	vmin.f32 v55, v22;
	(xrf1) =	vsort.ascd.msk.f32 $0xffff, v8, v8;
	v29, _, _ =	vpop (xrf1)  }
0x78: {  	v12 =	vmax.f32 v12, v17;
	v61 =	vmax.f32 v55, v22;
	v31, _, _ =	vpop (xrf1);
	(xrf1) =	vsort.ascd.msk.f32 $0xffff, v57, v57  }
0x79: {  	v62 =	vmin.f32 v58, v34;
	v15 =	vmax.f32 v58, v34;
	(xrf1) =	vsort.ascd.msk.f32 $0xffff, v12, v12  }
0x7a: {  	v28 =	vmin.f32 v60, v42;
	v8 =	vmax.f32 v60, v42;
	v35 =	vmin.f32 v59, v62  }
0x7b: {  	v20 =	vmax.f32 v59, v62;
	v36 =	vmin.f32 v61, v15;
	(xrf1) =	vsort.ascd.msk.f32 $0xffff, v35, v35  }
0x7c: {  	v15 =	vmax.f32 v61, v15;
	v30 =	vmin.f32 v63, v23;
	v37, _, _ =	vpop (xrf1);
	(xrf1) =	vsort.ascd.msk.f32 $0xffff, v20, v20  }
0x7d: {  	v32 =	vmax.f32 v63, v23;
	v33 =	vmin.f32 v29, v51;
	v39, _, _ =	vpop (xrf1);
	(xrf1) =	vsort.ascd.msk.f32 $0xffff, v36, v36  }
0x7e: {  	v10 =	vmax.f32 v29, v51;
	v38 =	vmin.f32 v28, v30;
	v41, _, _ =	vpop (xrf1);
	(xrf1) =	vsort.ascd.msk.f32 $0xffff, v15, v15  }
0x7f: {  	v14 =	vmax.f32 v28, v30;
	v40 =	vmin.f32 v8, v32;
	v8 =	vmax.f32 v8, v32;
	v44, _, _ =	vpop (xrf1)  }
0x80: {  	v57 =	vmin.f32 v4, v5;
	v4 =	vmax.f32 v4, v5;
	(xrf1) =	vsort.ascd.msk.f32 $0xffff, v38, v38;
	v45, _, _ =	vpop (xrf1)  }
0x81: {  	v34 =	vmin.f32 v31, v49;
	v17 =	vmax.f32 v31, v49;
	(xrf1) =	vsort.ascd.msk.f32 $0xffff, v14, v14;
	v47, _, _ =	vpop (xrf1)  }
0x82: {  	v42 =	vmin.f32 v33, v34;
	v12 =	vmax.f32 v33, v34;
	(xrf1) =	vsort.ascd.msk.f32 $0xffff, v40, v40;
	v48, _, _ =	vpop (xrf1)  }
0x83: {  	v43 =	vmin.f32 v10, v17;
	v10 =	vmax.f32 v10, v17;
	(xrf1) =	vsort.ascd.msk.f32 $0xffff, v8, v8;
	v7, _, _ =	vpop (xrf1)  }
0x84: {  	v18 =	vperm.xlane v37, v0;
	v46 =	vperm.xlane v39, v0;
	(xrf1) =	vsort.ascd.msk.f32 $0xffff, v42, v42;
	v49, _, _ =	vpop (xrf1)  }
0x85: {  	v16 =	vperm.xlane v41, v0;
	v17 =	vperm.xlane v44, v0;
	(xrf1) =	vsort.ascd.msk.f32 $0xffff, v12, v12;
	v51, _, _ =	vpop (xrf1)  }
0x86: {  	v19 =	vperm.xlane v45, v0;
	v20 =	vperm.xlane v47, v0;
	(xrf1) =	vsort.ascd.msk.f32 $0xffff, v43, v43;
	v54, _, _ =	vpop (xrf1)  }
0x87: {  	v8 =	vperm.xlane v48, v0;
	v7 =	vperm.xlane v7, v0;
	v56, _, _ =	vpop (xrf1);
	(xrf1) =	vsort.ascd.msk.f32 $0xffff, v10, v10  }
0x88: {  	v52 =	vperm.xlane v49, v0;
	v13 =	vperm.xlane v51, v0;
	(xrf1) =	vsort.ascd.msk.f32 $0xffff, v6, v6  }
0x89: {  	v55 =	vperm.xlane v54, v0;
	v22 =	vperm.xlane v56, v0;
	v3, _, _ =	vpop (xrf1);
	(xrf1) =	vsort.ascd.msk.f32 $0xffff, v50, v50  }
0x8a: {  	v5 =	vmin.f32 v3, v17;
	v3 =	vmax.f32 v3, v17;
	v6, _, _ =	vpop (xrf1);
	(xrf1) =	vsort.ascd.msk.f32 $0xffff, v53, v53  }
0x8b: {  	v58 =	vmin.f32 v6, v16;
	v6 =	vmax.f32 v6, v16;
	v59, _, _ =	vpop (xrf1);
	(xrf1) =	vsort.ascd.msk.f32 $0xffff, v9, v9  }
0x8c: {  	v60 =	vmin.f32 v59, v46;
	v12 =	vmax.f32 v59, v46;
	v61, _, _ =	vpop (xrf1);
	(xrf1) =	vsort.ascd.msk.f32 $0xffff, v57, v57  }
0x8d: {  	v14 =	vmax.f32 v61, v18;
	v63 =	vmin.f32 v5, v60;
	v5 =	vmax.f32 v5, v60  }
0x8e: {  	v62, _, _ =	vpop (xrf1);
	v37 =	vmin.f32 v3, v12;
	v3 =	vmax.f32 v3, v12;
	(xrf1) =	vsort.ascd.msk.f32 $0xffff, v4, v4  }
0x8f: {  	v4 =	vmin.f32 v61, v18;
	v30 =	vmin.f32 v62, v7;
	v7 =	vmax.f32 v62, v7  }
0x90: {  	v31, _, _ =	vpop (xrf1);
	v42 =	vmin.f32 v6, v14;
	v6 =	vmax.f32 v6, v14;
	v32 =	vmin.f32 v58, v4  }
0x91: {  	v33 =	vmin.f32 v31, v8;
	v8 =	vmax.f32 v31, v8;
	v4 =	vmax.f32 v58, v4  }
0x92: {  	v34, _, _ =	vpop (xrf1);
	v51 =	vmin.f32 v37, v42;
	v54 =	vmin.f32 v3, v6;
	v3 =	vmax.f32 v3, v6  }
0x93: {  	v35 =	vmin.f32 v34, v20;
	v36, _, _ =	vpop (xrf1);
	v20 =	vmax.f32 v34, v20;
	v47 =	vmin.f32 v63, v32  }
0x94: {  	v16 =	vmax.f32 v63, v32;
	v50 =	vmin.f32 v5, v4;
	v4 =	vmax.f32 v5, v4;
	v39, _, _ =	vpop (xrf1)  }
0x95: {  	v38 =	vmin.f32 v36, v19;
	v18 =	vmax.f32 v36, v19;
	(xrf1) =	vsort.ascd.msk.f32 $0xffff, v47, v47;
	v41, _, _ =	vpop (xrf1)  }
0x96: {  	v48 =	vmin.f32 v30, v35;
	v9 =	vmax.f32 v30, v35;
	v44, _, _ =	vpop (xrf1);
	(xrf1) =	vsort.ascd.msk.f32 $0xffff, v16, v16  }
0x97: {  	v53 =	vmin.f32 v7, v20;
	v7 =	vmax.f32 v7, v20;
	(xrf1) =	vsort.ascd.msk.f32 $0xffff, v50, v50  }
0x98: {  	v40 =	vmin.f32 v39, v22;
	v22 =	vmax.f32 v39, v22;
	(xrf1) =	vsort.ascd.msk.f32 $0xffff, v4, v4  }
0x99: {  	v5 =	vmin.f32 v33, v38;
	v6 =	vmin.f32 v8, v18;
	v46, _, _ =	vpop (xrf1);
	(xrf1) =	vsort.ascd.msk.f32 $0xffff, v51, v51  }
0x9a: {  	v49 =	vmin.f32 v46, v52;
	v15 =	vmax.f32 v46, v52;
	v52 =	vmax.f32 v37, v42  }
0x9b: {  	v43 =	vmin.f32 v41, v55;
	v11 =	vmax.f32 v41, v55;
	(xrf1) =	vsort.ascd.msk.f32 $0xffff, v52, v52  }
0x9c: {  	v55 =	vmin.f32 v48, v5;
	v5 =	vmax.f32 v48, v5;
	(xrf1) =	vsort.ascd.msk.f32 $0xffff, v54, v54  }
0x9d: {  	s23 =	simm.s32 $0x8100;
	v58 =	vmin.f32 v53, v6;
	v6 =	vmax.f32 v53, v6;
	(xrf1) =	vsort.ascd.msk.f32 $0xffff, v3, v3  }
0x9e: {  	[tilespmem:s23+$0xF0] =	vst v2;
	v45 =	vmin.f32 v44, v13;
	v4 =	vmax.f32 v33, v38;
	v2, _, _ =	vpop (xrf1);
	(xrf1) =	vsort.ascd.msk.f32 $0xffff, v55, v55  }
0x9f: {  	v13 =	vmax.f32 v44, v13;
	v56 =	vmin.f32 v9, v4;
	[tilespmem:s23+$0x80] =	vst v2;
	v2, _, _ =	vpop (xrf1);
	(xrf1) =	vsort.ascd.msk.f32 $0xffff, v5, v5  }
0xa0: {  	v59 =	vmin.f32 v22, v13;
	v4 =	vmax.f32 v9, v4;
	[tilespmem:s23+$0x90] =	vst v2;
	v2, _, _ =	vpop (xrf1);
	(xrf1) =	vsort.ascd.msk.f32 $0xffff, v56, v56  }
0xa1: {  	v57 =	vmin.f32 v43, v49;
	v3 =	vmax.f32 v8, v18;
	[tilespmem:s23+$0xA0] =	vst v2;
	v2, _, _ =	vpop (xrf1);
	(xrf1) =	vsort.ascd.msk.f32 $0xffff, v4, v4  }
0xa2: {  	v8 =	vmin.f32 v40, v45;
	[tilespmem:s23+$0xB0] =	vst v2;
	v2, _, _ =	vpop (xrf1);
	v60 =	vmin.f32 v7, v3;
	(xrf1) =	vsort.ascd.msk.f32 $0xffff, v58, v58  }
0xa3: {  	v61 =	vmin.f32 v8, v57;
	v8 =	vmax.f32 v8, v57;
	[tilespmem:s23+$0xC0] =	vst v2;
	v2, _, _ =	vpop (xrf1);
	(xrf1) =	vsort.ascd.msk.f32 $0xffff, v6, v6  }
0xa4: {  	v5 =	vmax.f32 v40, v45;
	[tilespmem:s23+$0xD0] =	vst v2;
	v2 =	vmax.f32 v7, v3;
	v3, _, _ =	vpop (xrf1);
	(xrf1) =	vsort.ascd.msk.f32 $0xffff, v60, v60  }
0xa5: {  	v7 =	vmin.f32 v11, v15;
	v4 =	vmax.f32 v43, v49;
	[tilespmem:s23+$0xFFFFFF00] =	vst v3;
	v3, _, _ =	vpop (xrf1);
	(xrf1) =	vsort.ascd.msk.f32 $0xffff, v2, v2  }
0xa6: {  	v62 =	vmin.f32 v5, v4;
	v6 =	vmax.f32 v22, v13;
	[tilespmem:s23+$0xFFFFFF10] =	vst v3;
	v3, _, _ =	vpop (xrf1);
	(xrf1) =	vsort.ascd.msk.f32 $0xffff, v61, v61  }
0xa7: {  	v63 =	vmax.f32 v5, v4;
	v5 =	vmin.f32 v59, v7;
	[tilespmem:s23+$0xFFFFFF20] =	vst v3;
	v3, _, _ =	vpop (xrf1);
	(xrf1) =	vsort.ascd.msk.f32 $0xffff, v8, v8  }
0xa8: {  	v4 =	vmax.f32 v59, v7;
	v2 =	vmax.f32 v11, v15;
	[tilespmem:s23+$0xFFFFFF30] =	vst v3;
	v7, _, _ =	vpop (xrf1);
	(xrf1) =	vsort.ascd.msk.f32 $0xffff, v62, v62  }
0xa9: {  	s24 =	simm.s32 $0x0;
	s25 =	simm.s32 $0x300;
	s22 =	sshll.u32 s21, $0x5;
	v3 =	vmin.f32 v6, v2;
	v2 =	vmax.f32 v6, v2;
	[tilespmem:s23+$0xFFFFFF40] =	vst v7;
	v6, _, _ =	vpop (xrf1);
	(xrf1) =	vsort.ascd.msk.f32 $0xffff, v63, v63  }
.LBB2_3:
0xaa: {  	v7 =	vld [tilespmem:s25+$0x90];
	[tilespmem:s23+$0xFFFFFF50] =	vst v6;
	v6, _, _ =	vpop (xrf1);
	(xrf1) =	vsort.ascd.msk.f32 $0xffff, v5, v5  }
0xab: {  	v5 =	vld [tilespmem:s25+$0x80];
	[tilespmem:s23+$0xFFFFFF60] =	vst v6;
	v6, _, _ =	vpop (xrf1);
	(xrf1) =	vsort.ascd.msk.f32 $0xffff, v4, v4  }
0xac: {  	v4 =	vld [tilespmem:s25+$0xB0];
	[tilespmem:s23+$0xFFFFFF70] =	vst v6;
	v6, _, _ =	vpop (xrf1);
	(xrf1) =	vsort.ascd.msk.f32 $0xffff, v3, v3  }
0xad: {  	v3 =	vld [tilespmem:s25+$0xA0];
	[tilespmem:s23+$0xFFFFFF80] =	vst v6;
	v6, _, _ =	vpop (xrf1);
	(xrf1) =	vsort.ascd.msk.f32 $0xffff, v2, v2  }
0xae: {  	v2 =	vld [tilespmem:s25+$0xF0];
	[tilespmem:s23+$0xFFFFFF90] =	vst v6;
	v6, _, _ =	vpop (xrf1);
	(xrf1) =	vsort.ascd.msk.f32 $0xffff, v1, v1  }
0xaf: {  	v1 =	vld [tilespmem:s25+$0xD0];
	(xrf1) =	vsort.ascd.msk.f32 $0xffff, v7, v7;
	[tilespmem:s23+$0xFFFFFFA0] =	vst v6;
	v6, _, _ =	vpop (xrf1)  }
0xb0: {  	v7 =	vld [tilespmem:s25+$0xE0];
	(xrf1) =	vsort.ascd.msk.f32 $0xffff, v5, v5;
	[tilespmem:s23+$0xFFFFFFB0] =	vst v6;
	v5, _, _ =	vpop (xrf1)  }
0xb1: {  	v6 =	vld [tilespmem:s25+$0xFFFFFF70];
	(xrf1) =	vsort.ascd.msk.f32 $0xffff, v4, v4;
	[tilespmem:s23+$0xFFFFFFC0] =	vst v5;
	v4, _, _ =	vpop (xrf1)  }
0xb2: {  	s24 =	sadd.s32 $0x4, s24;
	v5 =	vld [tilespmem:s25+$0xC0];
	(xrf1) =	vsort.ascd.msk.f32 $0xffff, v3, v3;
	[tilespmem:s23+$0xFFFFFFD0] =	vst v4;
	v3, _, _ =	vpop (xrf1)  }
0xb3: {  	p0 =	slt.u32 s24, $0x7C;
	v4 =	vld [tilespmem:s25+$0xFFFFFFF0];
	(xrf1) =	vsort.ascd.msk.f32 $0xffff, v2, v2;
	[tilespmem:s23+$0xFFFFFFE0] =	vst v3;
	v2, _, _ =	vpop (xrf1)  }
0xb4: {  	v3 =	vld [tilespmem:s25+$0x70];
	(xrf1) =	vsort.ascd.msk.f32 $0xffff, v1, v1;
	[tilespmem:s23+$0xFFFFFFF0] =	vst v2;
	v1, _, _ =	vpop (xrf1)  }
0xb5: {  	v2 =	vld [tilespmem:s25+$0xFFFFFF30];
	(xrf1) =	vsort.ascd.msk.f32 $0xffff, v7, v7;
	[tilespmem:s23+$0x0] =	vst v1;
	v1, _, _ =	vpop (xrf1)  }
0xb6: {  	v7 =	vld [tilespmem:s25+$0xFFFFFF50];
	(xrf1) =	vsort.ascd.msk.f32 $0xffff, v6, v6;
	[tilespmem:s23+$0x10] =	vst v1;
	v1, _, _ =	vpop (xrf1)  }
0xb7: {  	v6 =	vld [tilespmem:s25+$0xFFFFFF60];
	(xrf1) =	vsort.ascd.msk.f32 $0xffff, v5, v5;
	[tilespmem:s23+$0x20] =	vst v1;
	v1, _, _ =	vpop (xrf1)  }
0xb8: {  	v5 =	vld [tilespmem:s25+$0xFFFFFFB0];
	(xrf1) =	vsort.ascd.msk.f32 $0xffff, v4, v4;
	[tilespmem:s23+$0x30] =	vst v1;
	v1, _, _ =	vpop (xrf1)  }
0xb9: {  	v4 =	vld [tilespmem:s25+$0xFFFFFFD0];
	(xrf1) =	vsort.ascd.msk.f32 $0xffff, v3, v3;
	[tilespmem:s23+$0x40] =	vst v1;
	v1, _, _ =	vpop (xrf1)  }
0xba: {  	v3 =	vld [tilespmem:s25+$0xFFFFFFE0];
	(xrf1) =	vsort.ascd.msk.f32 $0xffff, v2, v2;
	[tilespmem:s23+$0x50] =	vst v1;
	v1, _, _ =	vpop (xrf1)  }
0xbb: {  	v2 =	vld [tilespmem:s25+$0x30];
	(xrf1) =	vsort.ascd.msk.f32 $0xffff, v7, v7;
	[tilespmem:s23+$0x60] =	vst v1;
	v1, _, _ =	vpop (xrf1)  }
0xbc: {  	v7 =	vld [tilespmem:s25+$0x50];
	(xrf1) =	vsort.ascd.msk.f32 $0xffff, v6, v6;
	[tilespmem:s23+$0x70] =	vst v1;
	v1, _, _ =	vpop (xrf1)  }
0xbd: {  	v6 =	vld [tilespmem:s25+$0x60];
	(xrf1) =	vsort.ascd.msk.f32 $0xffff, v5, v5;
	v5, _, _ =	vpop (xrf1);
	[tilespmem:s23+$0xE0] =	vst v1  }
0xbe: {  	v1 =	vld [tilespmem:s25+$0xFFFFFF10];
	v12 =	vperm.xlane v5, v0;
	(xrf1) =	vsort.ascd.msk.f32 $0xffff, v4, v4;
	v4, _, _ =	vpop (xrf1)  }
0xbf: {  	v8 =	vld [tilespmem:s25+$0xFFFFFF20];
	(xrf1) =	vsort.ascd.msk.f32 $0xffff, v3, v3;
	v3, _, _ =	vpop (xrf1)  }
0xc0: {  	v9 =	vld [tilespmem:s25+$0xFFFFFF40];
	v10 =	vmin.f32 v4, v12;
	v14 =	vperm.xlane v3, v0;
	(xrf1) =	vsort.ascd.msk.f32 $0xffff, v2, v2;
	v2, _, _ =	vpop (xrf1)  }
0xc1: {  	v4 =	vmax.f32 v4, v12;
	v11 =	vld [tilespmem:s25+$0xFFFFFF90];
	v5, _, _ =	vpop (xrf1);
	(xrf1) =	vsort.ascd.msk.f32 $0xffff, v10, v10  }
0xc2: {  	v10 =	vld [tilespmem:s25+$0xFFFFFFA0];
	v12 =	vmin.f32 v2, v14;
	v16 =	vperm.xlane v5, v0;
	v13, _, _ =	vpop (xrf1);
	(xrf1) =	vsort.ascd.msk.f32 $0xffff, v4, v4  }
0xc3: {  	v2 =	vmax.f32 v2, v14;
	v4 =	vld [tilespmem:s25+$0xFFFFFFC0];
	v3, _, _ =	vpop (xrf1);
	(xrf1) =	vsort.ascd.msk.f32 $0xffff, v12, v12  }
0xc4: {  	v18 =	vperm.xlane v13, v0;
	v12 =	vld [tilespmem:s25+$0x10];
	v14 =	vmax.f32 v3, v16;
	v15, _, _ =	vpop (xrf1);
	(xrf1) =	vsort.ascd.msk.f32 $0xffff, v2, v2  }
0xc5: {  	v3 =	vmin.f32 v3, v16;
	v2 =	vperm.xlane v15, v0;
	v15 =	vld [tilespmem:s25+$0x20];
	v5, _, _ =	vpop (xrf1);
	(xrf1) =	vsort.ascd.msk.f32 $0xffff, v14, v14  }
0xc6: {  	v14 =	vld [tilespmem:s25+$0x40];
	v16 =	vmin.f32 v5, v18;
	v17, _, _ =	vpop (xrf1);
	(xrf1) =	vsort.ascd.msk.f32 $0xffff, v3, v3  }
0xc7: {  	v5 =	vmax.f32 v5, v18;
	v3 =	vld [tilespmem:s25+$0xFFFFFF80];
	v17 =	vperm.xlane v17, v0;
	v13, _, _ =	vpop (xrf1);
	(xrf1) =	vsort.ascd.msk.f32 $0xffff, v16, v16  }
0xc8: {  	v16 =	vld [tilespmem:s25+$0x0];
	v13 =	vperm.xlane v13, v0;
	v18, _, _ =	vpop (xrf1);
	(xrf1) =	vsort.ascd.msk.f32 $0xffff, v5, v5  }
0xc9: {  	v5 =	vld [tilespmem:s25+$0xFFFFFF00];
	v18 =	vperm.xlane v18, v0;
	v19, _, _ =	vpop (xrf1);
	(xrf1) =	vsort.ascd.msk.f32 $0xffff, v7, v7  }
0xca: {  	v7 =	vperm.xlane v19, v0;
	v19, _, _ =	vpop (xrf1);
	(xrf1) =	vsort.ascd.msk.f32 $0xffff, v6, v6  }
0xcb: {  	v6 =	vmin.f32 v19, v2;
	v2 =	vmax.f32 v19, v2;
	(xrf1) =	vsort.ascd.msk.f32 $0xffff, v1, v1;
	v1, _, _ =	vpop (xrf1)  }
0xcc: {  	v1 =	vperm.xlane v1, v0;
	(xrf1) =	vsort.ascd.msk.f32 $0xffff, v8, v8;
	v8, _, _ =	vpop (xrf1)  }
0xcd: {  	v8 =	vperm.xlane v8, v0;
	(xrf1) =	vsort.ascd.msk.f32 $0xffff, v9, v9;
	v9, _, _ =	vpop (xrf1)  }
0xce: {  	v19 =	vmin.f32 v9, v17;
	v9 =	vmax.f32 v9, v17;
	(xrf1) =	vsort.ascd.msk.f32 $0xffff, v11, v11;
	v11, _, _ =	vpop (xrf1)  }
0xcf: {  	v11 =	vperm.xlane v11, v0;
	(xrf1) =	vsort.ascd.msk.f32 $0xffff, v10, v10;
	v10, _, _ =	vpop (xrf1)  }
0xd0: {  	(xrf1) =	vsort.ascd.msk.f32 $0xffff, v4, v4;
	v4, _, _ =	vpop (xrf1)  }
0xd1: {  	(xrf1) =	vsort.ascd.msk.f32 $0xffff, v12, v12;
	v12, _, _ =	vpop (xrf1)  }
0xd2: {  	(xrf1) =	vsort.ascd.msk.f32 $0xffff, v15, v15;
	v15, _, _ =	vpop (xrf1)  }
0xd3: {  	v12 =	vperm.xlane v12, v0;
	v15 =	vperm.xlane v15, v0;
	(xrf1) =	vsort.ascd.msk.f32 $0xffff, v14, v14;
	v14, _, _ =	vpop (xrf1)  }
0xd4: {  	v14 =	vperm.xlane v14, v0;
	(xrf1) =	vsort.ascd.msk.f32 $0xffff, v5, v5;
	v5, _, _ =	vpop (xrf1)  }
0xd5: {  	v20 =	vmin.f32 v4, v12;
	v17 =	vmin.f32 v10, v15;
	v5 =	vperm.xlane v5, v0;
	v21, _, _ =	vpop (xrf1)  }
0xd6: {  	v25 =	vmin.f32 v17, v20;
	v23 =	vmin.f32 v21, v14;
	v14 =	vmax.f32 v21, v14;
	v21, _, _ =	vpop (xrf1)  }
0xd7: {  	v17 =	vmax.f32 v17, v20;
	v20 =	vmin.f32 v21, v5;
	v24, _, _ =	vpop (xrf1);
	(xrf1) =	vsort.ascd.msk.f32 $0xffff, v25, v25  }
0xd8: {  	v5 =	vmax.f32 v21, v5;
	v21 =	vmin.f32 v23, v20;
	v22, _, _ =	vpop (xrf1);
	(xrf1) =	vsort.ascd.msk.f32 $0xffff, v17, v17  }
0xd9: {  	v25 =	vmin.f32 v14, v5;
	v17 =	vmin.f32 v22, v13;
	v26, _, _ =	vpop (xrf1);
	(xrf1) =	vsort.ascd.msk.f32 $0xffff, v21, v21  }
0xda: {  	v10 =	vmax.f32 v10, v15;
	v5 =	vmax.f32 v14, v5;
	v14, _, _ =	vpop (xrf1);
	(xrf1) =	vsort.ascd.msk.f32 $0xffff, v25, v25  }
0xdb: {  	v4 =	vmax.f32 v4, v12;
	v12 =	vmax.f32 v23, v20;
	v15, _, _ =	vpop (xrf1);
	(xrf1) =	vsort.ascd.msk.f32 $0xffff, v5, v5  }
0xdc: {  	v5 =	vmax.f32 v22, v13;
	v13 =	vmin.f32 v10, v4;
	v20, _, _ =	vpop (xrf1);
	(xrf1) =	vsort.ascd.msk.f32 $0xffff, v12, v12  }
0xdd: {  	v4 =	vmax.f32 v10, v4;
	v12 =	vperm.xlane v24, v0;
	v10, _, _ =	vpop (xrf1);
	(xrf1) =	vsort.ascd.msk.f32 $0xffff, v13, v13  }
0xde: {  	v13 =	vmin.f32 v14, v18;
	v14 =	vmax.f32 v14, v18;
	v18, _, _ =	vpop (xrf1);
	(xrf1) =	vsort.ascd.msk.f32 $0xffff, v4, v4  }
0xdf: {  	v4 =	vmin.f32 v15, v7;
	v7 =	vmax.f32 v15, v7;
	(xrf1) =	vsort.ascd.msk.f32 $0xffff, v3, v3;
	v3, _, _ =	vpop (xrf1)  }
0xe0: {  	v15 =	vmin.f32 v10, v1;
	v1 =	vmax.f32 v10, v1;
	(xrf1) =	vsort.ascd.msk.f32 $0xffff, v16, v16;
	v10, _, _ =	vpop (xrf1)  }
0xe1: {  	v16 =	vmin.f32 v18, v8;
	v8 =	vmax.f32 v18, v8;
	(xrf1) =	vsort.ascd.msk.f32 $0xffff, v6, v6;
	v6, _, _ =	vpop (xrf1)  }
0xe2: {  	v18 =	vmin.f32 v10, v11;
	v10 =	vmax.f32 v10, v11;
	v11, _, _ =	vpop (xrf1);
	(xrf1) =	vsort.ascd.msk.f32 $0xffff, v2, v2  }
0xe3: {  	v21 =	vmin.f32 v6, v12;
	v12 =	vmax.f32 v6, v12;
	(xrf1) =	vsort.ascd.msk.f32 $0xffff, v19, v19  }
0xe4: {  	v6 =	vperm.xlane v26, v0;
	v19 =	vperm.xlane v20, v0;
	(xrf1) =	vsort.ascd.msk.f32 $0xffff, v9, v9  }
0xe5: {  	v9 =	vperm.xlane v3, v0;
	(xrf1) =	vsort.ascd.msk.f32 $0xffff, v17, v17;
	v3, _, _ =	vpop (xrf1)  }
0xe6: {  	v17 =	vmin.f32 v11, v6;
	v11 =	vmax.f32 v11, v6;
	(xrf1) =	vsort.ascd.msk.f32 $0xffff, v5, v5;
	v20, _, _ =	vpop (xrf1)  }
0xe7: {  	(xrf1) =	vsort.ascd.msk.f32 $0xffff, v13, v13;
	v2, _, _ =	vpop (xrf1)  }
0xe8: {  	(xrf1) =	vsort.ascd.msk.f32 $0xffff, v14, v14;
	v5, _, _ =	vpop (xrf1)  }
0xe9: {  	(xrf1) =	vsort.ascd.msk.f32 $0xffff, v4, v4;
	v4, _, _ =	vpop (xrf1)  }
0xea: {  	v13 =	vperm.xlane v5, v0;
	v4 =	vperm.xlane v4, v0;
	(xrf1) =	vsort.ascd.msk.f32 $0xffff, v7, v7;
	v5, _, _ =	vpop (xrf1)  }
0xeb: {  	v14 =	vperm.xlane v2, v0;
	v7 =	vperm.xlane v5, v0;
	(xrf1) =	vsort.ascd.msk.f32 $0xffff, v15, v15;
	v15, _, _ =	vpop (xrf1)  }
0xec: {  	v22 =	vmin.f32 v3, v4;
	v3 =	vmax.f32 v3, v4;
	(xrf1) =	vsort.ascd.msk.f32 $0xffff, v1, v1;
	v23, _, _ =	vpop (xrf1)  }
0xed: {  	v4 =	vmax.f32 v20, v13;
	v6 =	vmax.f32 v15, v7;
	v5 =	vmax.f32 v23, v14;
	v24, _, _ =	vpop (xrf1)  }
0xee: {  	v1 =	vmax.f32 v3, v6;
	v2 =	vmax.f32 v4, v5;
	(xrf1) =	vsort.ascd.msk.f32 $0xffff, v16, v16;
	v16, _, _ =	vpop (xrf1)  }
0xef: {  	v25 =	vmin.f32 v24, v19;
	v26 =	vmax.f32 v1, v2;
	v27, _, _ =	vpop (xrf1);
	(xrf1) =	vsort.ascd.msk.f32 $0xffff, v8, v8  }
0xf0: {  	v19 =	vmax.f32 v24, v19;
	v24 =	vmin.f32 v16, v9;
	v8, _, _ =	vpop (xrf1);
	(xrf1) =	vsort.ascd.msk.f32 $0xffff, v26, v26  }
0xf1: {  	v9 =	vmax.f32 v16, v9;
	v26 =	vperm.xlane v8, v0;
	v8, _, _ =	vpop (xrf1);
	(xrf1) =	vsort.ascd.msk.f32 $0xffff, v18, v18  }
0xf2: {  	v16 =	vperm.xlane v27, v0;
	v18 =	vperm.xlane v8, v0;
	v8, _, _ =	vpop (xrf1);
	(xrf1) =	vsort.ascd.msk.f32 $0xffff, v10, v10  }
0xf3: {  	v13 =	vmin.f32 v20, v13;
	v10 =	vperm.xlane v8, v0;
	(xrf1) =	vsort.ascd.msk.f32 $0xffff, v21, v21;
	v8, _, _ =	vpop (xrf1)  }
0xf4: {  	v7 =	vmin.f32 v15, v7;
	v20 =	vperm.xlane v8, v0;
	(xrf1) =	vsort.ascd.msk.f32 $0xffff, v12, v12;
	v8, _, _ =	vpop (xrf1)  }
0xf5: {  	v14 =	vmin.f32 v23, v14;
	v12 =	vperm.xlane v8, v0;
	(xrf1) =	vsort.ascd.msk.f32 $0xffff, v17, v17;
	v8, _, _ =	vpop (xrf1)  }
0xf6: {  	v15 =	vperm.xlane v8, v0;
	v8 =	vmin.f32 v22, v7;
	(xrf1) =	vsort.ascd.msk.f32 $0xffff, v11, v11;
	v11, _, _ =	vpop (xrf1)  }
0xf7: {  	v7 =	vmax.f32 v22, v7;
	v11 =	vperm.xlane v11, v0;
	v17, _, _ =	vpop (xrf1);
	(xrf1) =	vsort.ascd.msk.f32 $0xffff, v25, v25  }
0xf8: {  	v21 =	vmin.f32 v17, v26;
	v17 =	vmax.f32 v17, v26;
	v22, _, _ =	vpop (xrf1);
	(xrf1) =	vsort.ascd.msk.f32 $0xffff, v19, v19  }
0xf9: {  	v19 =	vmin.f32 v22, v16;
	v16 =	vmax.f32 v22, v16;
	v22, _, _ =	vpop (xrf1);
	(xrf1) =	vsort.ascd.msk.f32 $0xffff, v24, v24  }
0xfa: {  	v25 =	vmin.f32 v21, v19;
	v22 =	vperm.xlane v22, v0;
	v24, _, _ =	vpop (xrf1);
	(xrf1) =	vsort.ascd.msk.f32 $0xffff, v9, v9  }
0xfb: {  	v26 =	vmax.f32 v21, v19;
	v19 =	vmin.f32 v17, v16;
	v21 =	vperm.xlane v24, v0  }
0xfc: {  	v16 =	vmax.f32 v17, v16;
	v17 =	vmin.f32 v13, v14;
	(xrf1) =	vsort.ascd.msk.f32 $0xffff, v25, v25;
	v23, _, _ =	vpop (xrf1)  }
0xfd: {  	v24 =	vmin.f32 v23, v10;
	v10 =	vmax.f32 v23, v10;
	(xrf1) =	vsort.ascd.msk.f32 $0xffff, v26, v26;
	v9, _, _ =	vpop (xrf1)  }
0xfe: {  	s23 =	sadd.s32 $0x200, s23;
	v23 =	vmin.f32 v9, v18;
	v9 =	vmax.f32 v9, v18;
	(xrf1) =	vsort.ascd.msk.f32 $0xffff, v19, v19;
	v18, _, _ =	vpop (xrf1)  }
0xff: {  	v19 =	vmin.f32 v24, v23;
	v23 =	vmax.f32 v24, v23;
	v24 =	vmin.f32 v10, v9;
	[tilespmem:s23+$0xF0] =	vst v18;
	v18, _, _ =	vpop (xrf1)  }
0x100: {  	v9 =	vmax.f32 v10, v9;
	v10 =	vperm.xlane v18, v0;
	(xrf1) =	vsort.ascd.msk.f32 $0xffff, v16, v16;
	v16, _, _ =	vpop (xrf1)  }
0x101: {  	v13 =	vmax.f32 v13, v14;
	v16 =	vperm.xlane v16, v0;
	(xrf1) =	vsort.ascd.msk.f32 $0xffff, v19, v19;
	v14, _, _ =	vpop (xrf1)  }
0x102: {  	v18 =	vmin.f32 v14, v12;
	v12 =	vmax.f32 v14, v12;
	(xrf1) =	vsort.ascd.msk.f32 $0xffff, v23, v23;
	v14, _, _ =	vpop (xrf1)  }
0x103: {  	v19 =	vmin.f32 v14, v20;
	v26 =	vmax.f32 v14, v20;
	v20, _, _ =	vpop (xrf1);
	(xrf1) =	vsort.ascd.msk.f32 $0xffff, v24, v24  }
0x104: {  	v23 =	vmin.f32 v18, v19;
	v18 =	vmax.f32 v18, v19;
	v19 =	vmin.f32 v12, v26;
	v24, _, _ =	vpop (xrf1)  }
0x105: {  	v25 =	vmin.f32 v20, v11;
	v12 =	vmax.f32 v12, v26;
	v14, _, _ =	vpop (xrf1);
	(xrf1) =	vsort.ascd.msk.f32 $0xffff, v9, v9  }
0x106: {  	v9 =	vmax.f32 v20, v11;
	v11 =	vmin.f32 v24, v15;
	v20, _, _ =	vpop (xrf1);
	(xrf1) =	vsort.ascd.msk.f32 $0xffff, v23, v23  }
0x107: {  	v15 =	vmax.f32 v24, v15;
	v23 =	vmin.f32 v14, v21;
	v24, _, _ =	vpop (xrf1);
	(xrf1) =	vsort.ascd.msk.f32 $0xffff, v18, v18  }
0x108: {  	v14 =	vmax.f32 v14, v21;
	v18 =	vmin.f32 v20, v22;
	v21, _, _ =	vpop (xrf1);
	(xrf1) =	vsort.ascd.msk.f32 $0xffff, v19, v19  }
0x109: {  	v19 =	vmax.f32 v20, v22;
	v20 =	vmin.f32 v24, v16;
	(xrf1) =	vsort.ascd.msk.f32 $0xffff, v12, v12  }
0x10a: {  	v12 =	vmax.f32 v24, v16;
	v16 =	vmin.f32 v21, v10;
	v10 =	vmax.f32 v21, v10;
	v21, _, _ =	vpop (xrf1)  }
0x10b: {  	v22 =	vmin.f32 v25, v11;
	v11 =	vmax.f32 v25, v11;
	v24 =	vmin.f32 v9, v15;
	v25, _, _ =	vpop (xrf1)  }
0x10c: {  	v9 =	vmax.f32 v9, v15;
	v15 =	vmin.f32 v23, v18;
	v18 =	vmax.f32 v23, v18;
	v23, _, _ =	vpop (xrf1)  }
0x10d: {  	v26 =	vmin.f32 v14, v19;
	v14 =	vmax.f32 v14, v19;
	v19 =	vmin.f32 v20, v16  }
0x10e: {  	v16 =	vmax.f32 v20, v16;
	v20 =	vmin.f32 v12, v10;
	v10 =	vmax.f32 v12, v10;
	v12, _, _ =	vpop (xrf1)  }
0x10f: {  	v23 =	vperm.xlane v23, v0;
	v12 =	vperm.xlane v12, v0;
	(xrf1) =	vsort.ascd.msk.f32 $0xffff, v22, v22;
	v22, _, _ =	vpop (xrf1)  }
0x110: {  	v21 =	vperm.xlane v21, v0;
	v25 =	vperm.xlane v25, v0;
	(xrf1) =	vsort.ascd.msk.f32 $0xffff, v11, v11;
	v11, _, _ =	vpop (xrf1)  }
0x111: {  	v22 =	vperm.xlane v22, v0;
	v11 =	vperm.xlane v11, v0;
	(xrf1) =	vsort.ascd.msk.f32 $0xffff, v24, v24;
	v24, _, _ =	vpop (xrf1)  }
0x112: {  	v3 =	vmin.f32 v3, v6;
	v24 =	vperm.xlane v24, v0;
	(xrf1) =	vsort.ascd.msk.f32 $0xffff, v9, v9  }
0x113: {  	v4 =	vmin.f32 v4, v5;
	v5 =	vmin.f32 v8, v17;
	(xrf1) =	vsort.ascd.msk.f32 $0xffff, v15, v15;
	v6, _, _ =	vpop (xrf1)  }
0x114: {  	v8 =	vmax.f32 v8, v17;
	v6 =	vperm.xlane v6, v0;
	(xrf1) =	vsort.ascd.msk.f32 $0xffff, v18, v18;
	v9, _, _ =	vpop (xrf1)  }
0x115: {  	v15 =	vmin.f32 v7, v13;
	v9 =	vperm.xlane v9, v0;
	(xrf1) =	vsort.ascd.msk.f32 $0xffff, v26, v26;
	v17, _, _ =	vpop (xrf1)  }
0x116: {  	v7 =	vmax.f32 v7, v13;
	v17 =	vperm.xlane v17, v0;
	(xrf1) =	vsort.ascd.msk.f32 $0xffff, v14, v14;
	v13, _, _ =	vpop (xrf1)  }
0x117: {  	v14 =	vmin.f32 v3, v4;
	v13 =	vperm.xlane v13, v0;
	(xrf1) =	vsort.ascd.msk.f32 $0xffff, v19, v19;
	v18, _, _ =	vpop (xrf1)  }
0x118: {  	v3 =	vmax.f32 v3, v4;
	v18 =	vperm.xlane v18, v0;
	(xrf1) =	vsort.ascd.msk.f32 $0xffff, v16, v16  }
0x119: {  	v1 =	vmin.f32 v1, v2;
	(xrf1) =	vsort.ascd.msk.f32 $0xffff, v20, v20  }
0x11a: {  	(xrf1) =	vsort.ascd.msk.f32 $0xffff, v10, v10  }
0x11b: {  	(xrf1) =	vsort.ascd.msk.f32 $0xffff, v5, v5  }
0x11c: {  	(xrf1) =	vsort.ascd.msk.f32 $0xffff, v8, v8  }
0x11d: {  	v2, _, _ =	vpop (xrf1);
	(xrf1) =	vsort.ascd.msk.f32 $0xffff, v15, v15  }
0x11e: {  	v4 =	vmin.f32 v2, v12;
	v2 =	vmax.f32 v2, v12;
	v5, _, _ =	vpop (xrf1);
	(xrf1) =	vsort.ascd.msk.f32 $0xffff, v7, v7  }
0x11f: {  	v7 =	vmin.f32 v5, v23;
	v5 =	vmax.f32 v5, v23;
	v8, _, _ =	vpop (xrf1);
	(xrf1) =	vsort.ascd.msk.f32 $0xffff, v14, v14  }
0x120: {  	v10 =	vmin.f32 v8, v25;
	v8 =	vmax.f32 v8, v25;
	v12, _, _ =	vpop (xrf1);
	(xrf1) =	vsort.ascd.msk.f32 $0xffff, v3, v3  }
0x121: {  	v3 =	vmin.f32 v12, v21;
	v12 =	vmax.f32 v12, v21;
	v14 =	vmin.f32 v4, v10;
	v15, _, _ =	vpop (xrf1)  }
0x122: {  	v4 =	vmax.f32 v4, v10;
	v10 =	vmin.f32 v15, v6;
	v6 =	vmax.f32 v15, v6;
	v15, _, _ =	vpop (xrf1)  }
0x123: {  	v16 =	vmin.f32 v7, v3;
	v19 =	vmin.f32 v15, v24;
	v15 =	vmax.f32 v15, v24;
	v20, _, _ =	vpop (xrf1)  }
0x124: {  	v3 =	vmax.f32 v7, v3;
	v7 =	vmin.f32 v20, v11;
	v11 =	vmax.f32 v20, v11;
	v20, _, _ =	vpop (xrf1)  }
0x125: {  	v21 =	vmin.f32 v2, v8;
	v23 =	vmin.f32 v20, v22;
	v20 =	vmax.f32 v20, v22;
	v22, _, _ =	vpop (xrf1)  }
0x126: {  	v2 =	vmax.f32 v2, v8;
	v8 =	vmin.f32 v22, v18;
	v18 =	vmax.f32 v22, v18;
	v22, _, _ =	vpop (xrf1)  }
0x127: {  	v24 =	vmin.f32 v5, v12;
	v25 =	vmin.f32 v22, v13;
	v13 =	vmax.f32 v22, v13;
	v22, _, _ =	vpop (xrf1)  }
0x128: {  	v5 =	vmax.f32 v5, v12;
	v12 =	vmin.f32 v22, v17;
	v17 =	vmax.f32 v22, v17;
	v22, _, _ =	vpop (xrf1)  }
0x129: {  	v26 =	vmin.f32 v10, v7;
	v27 =	vmin.f32 v22, v9;
	v9 =	vmax.f32 v22, v9;
	v22, _, _ =	vpop (xrf1)  }
0x12a: {  	v7 =	vmax.f32 v10, v7;
	v10 =	vmin.f32 v19, v23;
	v19 =	vmax.f32 v19, v23;
	[tilespmem:s23+$0x80] =	vst v22;
	v22, _, _ =	vpop (xrf1)  }
0x12b: {  	v23 =	vmin.f32 v6, v11;
	v6 =	vmax.f32 v6, v11;
	v11 =	vmin.f32 v15, v20;
	[tilespmem:s23+$0x90] =	vst v22;
	v22, _, _ =	vpop (xrf1)  }
0x12c: {  	v15 =	vmax.f32 v15, v20;
	v20 =	vmin.f32 v8, v12;
	v8 =	vmax.f32 v8, v12;
	[tilespmem:s23+$0xA0] =	vst v22;
	v12, _, _ =	vpop (xrf1)  }
0x12d: {  	v22 =	vmin.f32 v25, v27;
	v25 =	vmax.f32 v25, v27;
	v27 =	vmin.f32 v18, v17;
	[tilespmem:s23+$0xB0] =	vst v12;
	v12, _, _ =	vpop (xrf1)  }
0x12e: {  	v17 =	vmax.f32 v18, v17;
	v18 =	vmin.f32 v13, v9;
	v9 =	vmax.f32 v13, v9;
	[tilespmem:s23+$0xC0] =	vst v12;
	v12, _, _ =	vpop (xrf1)  }
0x12f: {  	v13 =	vmin.f32 v14, v16;
	v14 =	vmax.f32 v14, v16;
	v16 =	vmin.f32 v4, v3;
	[tilespmem:s23+$0xD0] =	vst v12  }
0x130: {  	v28 =	vmin.f32 v21, v24;
	v21 =	vmax.f32 v21, v24;
	v12 =	vmax.f32 v4, v3  }
0x131: {  	v24 =	vmin.f32 v2, v5;
	v29 =	vmax.f32 v2, v5;
	v30 =	vmin.f32 v26, v10  }
0x132: {  	v10 =	vmax.f32 v26, v10;
	v26 =	vmin.f32 v7, v19;
	v7 =	vmax.f32 v7, v19  }
0x133: {  	v19 =	vmin.f32 v23, v11;
	v11 =	vmax.f32 v23, v11;
	v23 =	vmin.f32 v6, v15  }
0x134: {  	v6 =	vmax.f32 v6, v15;
	v15 =	vmin.f32 v20, v22;
	v20 =	vmax.f32 v20, v22  }
0x135: {  	v22 =	vmin.f32 v8, v25;
	v8 =	vmax.f32 v8, v25;
	v5 =	vmin.f32 v27, v18  }
0x136: {  	v2 =	vmax.f32 v17, v9;
	v4 =	vmax.f32 v27, v18;
	v3 =	vmin.f32 v17, v9  }
0x137: {  	(xrf1) =	vsort.ascd.msk.f32 $0xffff, v13, v13  }
0x138: {  	(xrf1) =	vsort.ascd.msk.f32 $0xffff, v14, v14  }
0x139: {  	(xrf1) =	vsort.ascd.msk.f32 $0xffff, v16, v16  }
0x13a: {  	(xrf1) =	vsort.ascd.msk.f32 $0xffff, v12, v12  }
0x13b: {  	(xrf1) =	vsort.ascd.msk.f32 $0xffff, v28, v28  }
0x13c: {  	(xrf1) =	vsort.ascd.msk.f32 $0xffff, v21, v21  }
0x13d: {  	(xrf1) =	vsort.ascd.msk.f32 $0xffff, v24, v24  }
0x13e: {  	(xrf1) =	vsort.ascd.msk.f32 $0xffff, v29, v29  }
0x13f: {  	(xrf1) =	vsort.ascd.msk.f32 $0xffff, v30, v30  }
0x140: {  	(xrf1) =	vsort.ascd.msk.f32 $0xffff, v10, v10  }
0x141: {  	(xrf1) =	vsort.ascd.msk.f32 $0xffff, v26, v26  }
0x142: {  	(xrf1) =	vsort.ascd.msk.f32 $0xffff, v7, v7  }
0x143: {  	(xrf1) =	vsort.ascd.msk.f32 $0xffff, v19, v19  }
0x144: {  	(xrf1) =	vsort.ascd.msk.f32 $0xffff, v11, v11  }
0x145: {  	v7, _, _ =	vpop (xrf1);
	(xrf1) =	vsort.ascd.msk.f32 $0xffff, v23, v23  }
.Ltmp0:
0x146: {  	[tilespmem:s23+$0xFFFFFF00] =	vst v7;
	v7, _, _ =	vpop (xrf1);
	(xrf1) =	vsort.ascd.msk.f32 $0xffff, v6, v6;
	(pc) =	sbr.rel @p0 .LBB2_3-.Ltmp0, $4  }
0x147: {  	[tilespmem:s23+$0xFFFFFF10] =	vst v7;
	v6, _, _ =	vpop (xrf1);
	(xrf1) =	vsort.ascd.msk.f32 $0xffff, v15, v15  }
0x148: {  	[tilespmem:s23+$0xFFFFFF20] =	vst v6;
	v6, _, _ =	vpop (xrf1);
	(xrf1) =	vsort.ascd.msk.f32 $0xffff, v20, v20  }
0x149: {  	[tilespmem:s23+$0xFFFFFF30] =	vst v6;
	v6, _, _ =	vpop (xrf1);
	(xrf1) =	vsort.ascd.msk.f32 $0xffff, v22, v22  }
0x14a: {  	s25 =	sadd.s32 $0x200, s25;
	[tilespmem:s23+$0xFFFFFF40] =	vst v6;
	v6, _, _ =	vpop (xrf1);
	(xrf1) =	vsort.ascd.msk.f32 $0xffff, v8, v8  }
0x14b: {  	[tilespmem:s23+$0xFFFFFF50] =	vst v6;
	v6, _, _ =	vpop (xrf1);
	(xrf1) =	vsort.ascd.msk.f32 $0xffff, v5, v5  }
0x14c: {  	[tilespmem:s23+$0xFFFFFF60] =	vst v6;
	v5, _, _ =	vpop (xrf1);
	(xrf1) =	vsort.ascd.msk.f32 $0xffff, v4, v4  }
0x14d: {  	[tilespmem:s23+$0xFFFFFF70] =	vst v5;
	v4, _, _ =	vpop (xrf1);
	(xrf1) =	vsort.ascd.msk.f32 $0xffff, v3, v3  }
0x14e: {  	[tilespmem:s23+$0xFFFFFF80] =	vst v4;
	v3, _, _ =	vpop (xrf1);
	(xrf1) =	vsort.ascd.msk.f32 $0xffff, v2, v2  }
0x14f: {  	[tilespmem:s23+$0xFFFFFF90] =	vst v3;
	v2, _, _ =	vpop (xrf1);
	(xrf1) =	vsort.ascd.msk.f32 $0xffff, v1, v1  }
0x150: {  	[tilespmem:s23+$0xFFFFFFA0] =	vst v2;
	v1, _, _ =	vpop (xrf1)  }
0x151: {  	[tilespmem:s23+$0xFFFFFFB0] =	vst v1;
	v1, _, _ =	vpop (xrf1)  }
0x152: {  	[tilespmem:s23+$0xFFFFFFC0] =	vst v1;
	v1, _, _ =	vpop (xrf1)  }
0x153: {  	[tilespmem:s23+$0xFFFFFFD0] =	vst v1;
	v1, _, _ =	vpop (xrf1)  }
0x154: {  	[tilespmem:s23+$0xFFFFFFE0] =	vst v1;
	v1, _, _ =	vpop (xrf1)  }
0x155: {  	[tilespmem:s23+$0xFFFFFFF0] =	vst v1;
	v1, _, _ =	vpop (xrf1)  }
0x156: {  	[tilespmem:s23+$0x0] =	vst v1;
	v1, _, _ =	vpop (xrf1)  }
0x157: {  	[tilespmem:s23+$0x10] =	vst v1;
	v1, _, _ =	vpop (xrf1)  }
0x158: {  	[tilespmem:s23+$0x20] =	vst v1;
	v1, _, _ =	vpop (xrf1)  }
0x159: {  	[tilespmem:s23+$0x30] =	vst v1;
	v1, _, _ =	vpop (xrf1)  }
0x15a: {  	[tilespmem:s23+$0x40] =	vst v1;
	v1, _, _ =	vpop (xrf1)  }
0x15b: {  	s24 =	sshll.u32 s21, $0xF;
	[tilespmem:s23+$0x50] =	vst v1;
	v1, _, _ =	vpop (xrf1)  }
0x15c: {  	s24 =	sadd.s32 s6, s24;
	[tilespmem:s23+$0x60] =	vst v1;
	v1, _, _ =	vpop (xrf1)  }
0x15d: {  	p0 =	seq.s32 s21, $0x3;
	s24 =	sshrl.u32 s24, $0x3;
	[tilespmem:s23+$0x70] =	vst v1;
	v1, _, _ =	vpop (xrf1)  }
0x15e: {  	s30 =	sadd.s32 s3, s24;
	[tilespmem:s23+$0xE0] =	vst v1;
	s23 =	sadd.s32 @!p0 s22, s11  }
0x15f: {  	[hbm4b:s30+s4] =	stream.linear.scatter [tilespmem:s15], [sflag:$0x3], $0x4000, $0x38;
	[tilespmem:$0x10000] =	vst v63  }
0x160: {  	s23 =	sshll.u32 @!p0 s23, $0xA  }
0x161: {  	s23 =	sadd.s32 @!p0 s5, s23  }
0x162: {  	p1 =	seq.s32 @!p0 s21, $0x0;
	s23 =	sshrl.u32 @!p0 s23, $0x3  }
0x163: {  	p1 =	por p0, !p1;
	s24 =	simm.s32 @!p0 $0x0;
	s23 =	sadd.s32 @!p0 s2, s23  }
0x164: {  	[tilespmem:s24], [sflag:$0x1] =	stream.linear.gather @!p0 [hbm4b:s23+s24], $0x4000, $0x38;
	[tilespmem:$0x10000] =	vst v63  }
0x165: {  	_ =	swait.ge @p1 [sflag:s19], $0x4000  }
0x166: {  	[sflag:s19] =	ssyncset.done @p1 $0x0  }
0x167: {  	[sflag:s19] =	ssyncadd.s32 @p1 $0xFFFFC000  }
0x168: {  	_ =	swait.ge [sflag:s16], $0x4000  }
0x169: {  	[sflag:s16] =	ssyncset.done $0x0  }
0x16a: {  	s31 =	simm.s32 $0x4100;
	[sflag:s16] =	ssyncadd.s32 $0xFFFFC000  }
0x16b: {  	v1 =	vld [tilespmem:s31+$0x90]  }
0x16c: {  	v2 =	vld [tilespmem:s31+$0x80]  }
0x16d: {  	v3 =	vld [tilespmem:s31+$0xB0];
	_ =	sdelay $0x1  }
0x16e: {  	v4 =	vld [tilespmem:s31+$0xA0]  }
0x16f: {  	v5 =	vld [tilespmem:s31+$0xF0];
	(xrf1) =	vsort.ascd.msk.f32 $0xffff, v1, v1  }
0x170: {  	v6 =	vld [tilespmem:s31+$0xD0];
	(xrf1) =	vsort.ascd.msk.f32 $0xffff, v2, v2  }
0x171: {  	v1 =	vld [tilespmem:s31+$0xE0];
	(xrf1) =	vsort.ascd.msk.f32 $0xffff, v3, v3  }
0x172: {  	v2 =	vld [tilespmem:s31+$0xFFFFFF70]  }
0x173: {  	v3 =	vld [tilespmem:s31+$0xC0];
	(xrf1) =	vsort.ascd.msk.f32 $0xffff, v4, v4  }
0x174: {  	v4 =	vld [tilespmem:s31+$0xFFFFFFF0];
	(xrf1) =	vsort.ascd.msk.f32 $0xffff, v5, v5  }
0x175: {  	v5 =	vld [tilespmem:s31+$0x70];
	(xrf1) =	vsort.ascd.msk.f32 $0xffff, v6, v6  }
0x176: {  	v6 =	vld [tilespmem:s31+$0xFFFFFF30];
	(xrf1) =	vsort.ascd.msk.f32 $0xffff, v1, v1  }
0x177: {  	v1 =	vld [tilespmem:s31+$0xFFFFFF50];
	(xrf1) =	vsort.ascd.msk.f32 $0xffff, v2, v2  }
0x178: {  	v2 =	vld [tilespmem:s31+$0xFFFFFF60];
	(xrf1) =	vsort.ascd.msk.f32 $0xffff, v3, v3  }
0x179: {  	v3 =	vld [tilespmem:s31+$0xFFFFFFB0];
	(xrf1) =	vsort.ascd.msk.f32 $0xffff, v4, v4  }
0x17a: {  	v4 =	vld [tilespmem:s31+$0xFFFFFFD0];
	(xrf1) =	vsort.ascd.msk.f32 $0xffff, v5, v5  }
0x17b: {  	v5 =	vld [tilespmem:s31+$0xFFFFFFE0];
	(xrf1) =	vsort.ascd.msk.f32 $0xffff, v6, v6  }
0x17c: {  	v6 =	vld [tilespmem:s31+$0x30];
	(xrf1) =	vsort.ascd.msk.f32 $0xffff, v1, v1  }
0x17d: {  	(xrf1) =	vsort.ascd.msk.f32 $0xffff, v2, v2;
	v1, _, _ =	vpop (xrf1)  }
0x17e: {  	(xrf1) =	vsort.ascd.msk.f32 $0xffff, v3, v3;
	v2, _, _ =	vpop (xrf1)  }
0x17f: {  	v1 =	vperm.xlane v1, v0;
	(xrf1) =	vsort.ascd.msk.f32 $0xffff, v4, v4;
	v3, _, _ =	vpop (xrf1)  }
0x180: {  	(xrf1) =	vsort.ascd.msk.f32 $0xffff, v5, v5;
	v3 =	vperm.xlane v3, v0  }
0x181: {  	v4 =	vmin.f32 v2, v1;
	(xrf1) =	vsort.ascd.msk.f32 $0xffff, v6, v6;
	v5, _, _ =	vpop (xrf1)  }
0x182: {  	v1 =	vmax.f32 v2, v1;
	v2, _, _ =	vpop (xrf1);
	(xrf1) =	vsort.ascd.msk.f32 $0xffff, v4, v4  }
0x183: {  	v4 =	vmin.f32 v5, v3;
	v2 =	vperm.xlane v2, v0;
	v6, _, _ =	vpop (xrf1);
	(xrf1) =	vsort.ascd.msk.f32 $0xffff, v1, v1  }
0x184: {  	v1 =	vmax.f32 v5, v3;
	(xrf1) =	vsort.ascd.msk.f32 $0xffff, v4, v4;
	v5 =	vperm.xlane v6, v0;
	v3, _, _ =	vpop (xrf1)  }
0x185: {  	v4 =	vld [tilespmem:s31+$0x50];
	(xrf1) =	vsort.ascd.msk.f32 $0xffff, v1, v1;
	v6 =	vmax.f32 v3, v2;
	v7, _, _ =	vpop (xrf1)  }
0x186: {  	v1 =	vld [tilespmem:s31+$0x60];
	v2 =	vmin.f32 v3, v2;
	v3, _, _ =	vpop (xrf1);
	(xrf1) =	vsort.ascd.msk.f32 $0xffff, v6, v6  }
0x187: {  	v6 =	vld [tilespmem:s31+$0xFFFFFF10];
	v8 =	vmin.f32 v3, v5;
	v9, _, _ =	vpop (xrf1);
	(xrf1) =	vsort.ascd.msk.f32 $0xffff, v2, v2  }
0x188: {  	v2 =	vld [tilespmem:s31+$0xFFFFFF20];
	v3 =	vmax.f32 v3, v5;
	v5, _, _ =	vpop (xrf1);
	(xrf1) =	vsort.ascd.msk.f32 $0xffff, v8, v8  }
0x189: {  	v8 =	vld [tilespmem:s31+$0xFFFFFF40];
	v10, _, _ =	vpop (xrf1);
	(xrf1) =	vsort.ascd.msk.f32 $0xffff, v3, v3  }
0x18a: {  	v3 =	vld [tilespmem:s31+$0xFFFFFF90];
	v11, _, _ =	vpop (xrf1);
	(xrf1) =	vsort.ascd.msk.f32 $0xffff, v4, v4  }
0x18b: {  	v4 =	vld [tilespmem:s31+$0xFFFFFFA0];
	v12, _, _ =	vpop (xrf1);
	(xrf1) =	vsort.ascd.msk.f32 $0xffff, v1, v1  }
0x18c: {  	v1 =	vld [tilespmem:s31+$0xFFFFFFC0];
	(xrf1) =	vsort.ascd.msk.f32 $0xffff, v6, v6;
	v6, _, _ =	vpop (xrf1)  }
0x18d: {  	v13 =	vld [tilespmem:s31+$0x10];
	(xrf1) =	vsort.ascd.msk.f32 $0xffff, v2, v2;
	v2, _, _ =	vpop (xrf1)  }
0x18e: {  	v14 =	vld [tilespmem:s31+$0x20];
	(xrf1) =	vsort.ascd.msk.f32 $0xffff, v8, v8;
	v8, _, _ =	vpop (xrf1)  }
0x18f: {  	v15 =	vld [tilespmem:s31+$0x40];
	(xrf1) =	vsort.ascd.msk.f32 $0xffff, v3, v3;
	v3, _, _ =	vpop (xrf1)  }
0x190: {  	v16 =	vld [tilespmem:s31+$0xFFFFFF00];
	(xrf1) =	vsort.ascd.msk.f32 $0xffff, v4, v4;
	v4, _, _ =	vpop (xrf1)  }
0x191: {  	(xrf1) =	vsort.ascd.msk.f32 $0xffff, v1, v1;
	v1, _, _ =	vpop (xrf1)  }
0x192: {  	v7 =	vperm.xlane v7, v0;
	(xrf1) =	vsort.ascd.msk.f32 $0xffff, v13, v13;
	v23, _, _ =	vpop (xrf1)  }
0x193: {  	v9 =	vperm.xlane v9, v0;
	v5 =	vperm.xlane v5, v0;
	(xrf1) =	vsort.ascd.msk.f32 $0xffff, v14, v14;
	v24, _, _ =	vpop (xrf1)  }
0x194: {  	v13 =	vperm.xlane v23, v0;
	v14 =	vperm.xlane v24, v0;
	(xrf1) =	vsort.ascd.msk.f32 $0xffff, v15, v15;
	v25, _, _ =	vpop (xrf1)  }
0x195: {  	v10 =	vperm.xlane v10, v0;
	v15 =	vperm.xlane v25, v0;
	(xrf1) =	vsort.ascd.msk.f32 $0xffff, v16, v16;
	v26, _, _ =	vpop (xrf1)  }
0x196: {  	v18 =	vmin.f32 v1, v13;
	v17 =	vmin.f32 v4, v14;
	v16 =	vperm.xlane v26, v0;
	v19, _, _ =	vpop (xrf1)  }
0x197: {  	v20 =	vmin.f32 v17, v18;
	v21 =	vmin.f32 v19, v15;
	v15 =	vmax.f32 v19, v15;
	v27, _, _ =	vpop (xrf1)  }
0x198: {  	v17 =	vmax.f32 v17, v18;
	v28 =	vmin.f32 v27, v16;
	(xrf1) =	vsort.ascd.msk.f32 $0xffff, v20, v20  }
0x199: {  	v16 =	vmax.f32 v27, v16;
	v29 =	vmin.f32 v21, v28;
	(xrf1) =	vsort.ascd.msk.f32 $0xffff, v17, v17  }
0x19a: {  	v11 =	vperm.xlane v11, v0;
	v30, _, _ =	vpop (xrf1);
	v31 =	vmin.f32 v15, v16;
	(xrf1) =	vsort.ascd.msk.f32 $0xffff, v29, v29  }
0x19b: {  	v32 =	vld [tilespmem:s31+$0xFFFFFF80];
	v1 =	vmax.f32 v1, v13;
	v22, _, _ =	vpop (xrf1);
	v33 =	vmax.f32 v15, v16;
	(xrf1) =	vsort.ascd.msk.f32 $0xffff, v31, v31  }
0x19c: {  	v34 =	vld [tilespmem:s31+$0x0];
	v4 =	vmax.f32 v4, v14;
	v36 =	vmax.f32 v21, v28;
	v35, _, _ =	vpop (xrf1);
	(xrf1) =	vsort.ascd.msk.f32 $0xffff, v33, v33  }
0x19d: {  	v37 =	vmin.f32 v12, v7;
	v39 =	vmin.f32 v4, v1;
	v38, _, _ =	vpop (xrf1);
	(xrf1) =	vsort.ascd.msk.f32 $0xffff, v36, v36  }
0x19e: {  	v7 =	vmax.f32 v12, v7;
	v1 =	vmax.f32 v4, v1;
	v40, _, _ =	vpop (xrf1);
	(xrf1) =	vsort.ascd.msk.f32 $0xffff, v39, v39  }
0x19f: {  	v2 =	vperm.xlane v2, v0;
	v4 =	vperm.xlane v6, v0;
	v6, _, _ =	vpop (xrf1);
	(xrf1) =	vsort.ascd.msk.f32 $0xffff, v1, v1  }
0x1a0: {  	v3 =	vperm.xlane v3, v0;
	v44 =	vperm.xlane v30, v0;
	v41, _, _ =	vpop (xrf1);
	(xrf1) =	vsort.ascd.msk.f32 $0xffff, v32, v32  }
0x1a1: {  	v42 =	vmin.f32 v22, v5;
	v5 =	vmax.f32 v22, v5;
	v43, _, _ =	vpop (xrf1);
	(xrf1) =	vsort.ascd.msk.f32 $0xffff, v34, v34  }
0x1a2: {  	v46 =	vmin.f32 v38, v10;
	v10 =	vmax.f32 v38, v10;
	v45, _, _ =	vpop (xrf1);
	(xrf1) =	vsort.ascd.msk.f32 $0xffff, v37, v37  }
0x1a3: {  	v53 =	vperm.xlane v6, v0;
	v1 =	vmin.f32 v8, v9;
	v47, _, _ =	vpop (xrf1);
	(xrf1) =	vsort.ascd.msk.f32 $0xffff, v7, v7  }
0x1a4: {  	v8 =	vmax.f32 v8, v9;
	v9 =	vmax.f32 v41, v4;
	v48, _, _ =	vpop (xrf1);
	(xrf1) =	vsort.ascd.msk.f32 $0xffff, v1, v1  }
0x1a5: {  	v54 =	vperm.xlane v45, v0;
	v1 =	vmin.f32 v41, v4;
	v4, _, _ =	vpop (xrf1);
	(xrf1) =	vsort.ascd.msk.f32 $0xffff, v8, v8  }
0x1a6: {  	v50 =	vmin.f32 v47, v3;
	v18 =	vmax.f32 v47, v3;
	(xrf1) =	vsort.ascd.msk.f32 $0xffff, v42, v42;
	v49, _, _ =	vpop (xrf1)  }
0x1a7: {  	v3 =	vperm.xlane v35, v0;
	v7 =	vmin.f32 v40, v11;
	(xrf1) =	vsort.ascd.msk.f32 $0xffff, v5, v5;
	v51, _, _ =	vpop (xrf1)  }
0x1a8: {  	v11 =	vmax.f32 v40, v11;
	v52 =	vmin.f32 v48, v44;
	(xrf1) =	vsort.ascd.msk.f32 $0xffff, v46, v46;
	v5, _, _ =	vpop (xrf1)  }
0x1a9: {  	v12 =	vmax.f32 v48, v44;
	v8 =	vmin.f32 v43, v2;
	(xrf1) =	vsort.ascd.msk.f32 $0xffff, v10, v10;
	v6, _, _ =	vpop (xrf1)  }
0x1aa: {  	v2 =	vmax.f32 v43, v2;
	v55 =	vmin.f32 v4, v3;
	(xrf1) =	vsort.ascd.msk.f32 $0xffff, v7, v7;
	v7, _, _ =	vpop (xrf1)  }
0x1ab: {  	v24 =	vmax.f32 v4, v3;
	v59 =	vperm.xlane v5, v0;
	v57 =	vperm.xlane v6, v0;
	v6, _, _ =	vpop (xrf1)  }
0x1ac: {  	v56 =	vperm.xlane v7, v0;
	(xrf1) =	vsort.ascd.msk.f32 $0xffff, v11, v11;
	v58 =	vperm.xlane v6, v0  }
0x1ad: {  	(xrf1) =	vsort.ascd.msk.f32 $0xffff, v1, v1;
	v23, _, _ =	vpop (xrf1);
	v5 =	vmax.f32 v51, v57;
	v17 =	vmin.f32 v51, v57  }
0x1ae: {  	v4 =	vmax.f32 v49, v56;
	(xrf1) =	vsort.ascd.msk.f32 $0xffff, v9, v9;
	v60, _, _ =	vpop (xrf1);
	v13 =	vmin.f32 v49, v56  }
0x1af: {  	v7 =	vmax.f32 v23, v58;
	v6 =	vmax.f32 v60, v59;
	v25, _, _ =	vpop (xrf1);
	(xrf1) =	vsort.ascd.msk.f32 $0xffff, v8, v8  }
0x1b0: {  	v11 =	vmin.f32 v23, v58;
	v1 =	vmax.f32 v4, v7;
	v3 =	vmax.f32 v5, v6;
	v8, _, _ =	vpop (xrf1)  }
0x1b1: {  	v9 =	vmin.f32 v60, v59;
	(xrf1) =	vsort.ascd.msk.f32 $0xffff, v2, v2;
	v61 =	vmax.f32 v1, v3;
	v26, _, _ =	vpop (xrf1)  }
0x1b2: {  	v2 =	vmin.f32 v25, v53;
	v14 =	vmax.f32 v25, v53;
	v62, _, _ =	vpop (xrf1);
	(xrf1) =	vsort.ascd.msk.f32 $0xffff, v61, v61  }
0x1b3: {  	v21 =	vmin.f32 v13, v11;
	v11 =	vmax.f32 v13, v11;
	v27, _, _ =	vpop (xrf1);
	(xrf1) =	vsort.ascd.msk.f32 $0xffff, v50, v50  }
0x1b4: {  	v4 =	vmin.f32 v4, v7;
	v5 =	vmin.f32 v5, v6;
	v28, _, _ =	vpop (xrf1);
	(xrf1) =	vsort.ascd.msk.f32 $0xffff, v18, v18  }
0x1b5: {  	v63 =	vmin.f32 v8, v54;
	v8 =	vmax.f32 v8, v54;
	(xrf1) =	vsort.ascd.msk.f32 $0xffff, v52, v52;
	v30, _, _ =	vpop (xrf1)  }
0x1b6: {  	v1 =	vmin.f32 v1, v3;
	v26 =	vperm.xlane v26, v0;
	(xrf1) =	vsort.ascd.msk.f32 $0xffff, v12, v12;
	v32, _, _ =	vpop (xrf1)  }
0x1b7: {  	v25 =	vperm.xlane v62, v0;
	v29 =	vperm.xlane v27, v0;
	v33, _, _ =	vpop (xrf1);
	(xrf1) =	vsort.ascd.msk.f32 $0xffff, v55, v55  }
0x1b8: {  	v19 =	vperm.xlane v28, v0;
	v31 =	vperm.xlane v30, v0;
	v35, _, _ =	vpop (xrf1);
	(xrf1) =	vsort.ascd.msk.f32 $0xffff, v24, v24  }
0x1b9: {  	v12 =	vperm.xlane v32, v0;
	v34 =	vperm.xlane v33, v0;
	v36, _, _ =	vpop (xrf1);
	(xrf1) =	vsort.ascd.msk.f32 $0xffff, v2, v2  }
0x1ba: {  	v22 =	vperm.xlane v35, v0;
	v2 =	vmin.f32 v36, v25;
	v37, _, _ =	vpop (xrf1);
	(xrf1) =	vsort.ascd.msk.f32 $0xffff, v14, v14  }
0x1bb: {  	v13 =	vmax.f32 v36, v25;
	v38 =	vmin.f32 v37, v26;
	v39, _, _ =	vpop (xrf1);
	(xrf1) =	vsort.ascd.msk.f32 $0xffff, v63, v63  }
0x1bc: {  	v10 =	vmax.f32 v37, v26;
	v40 =	vmin.f32 v2, v38;
	v41, _, _ =	vpop (xrf1);
	(xrf1) =	vsort.ascd.msk.f32 $0xffff, v8, v8  }
0x1bd: {  	v23 =	vperm.xlane v39, v0;
	v2 =	vmax.f32 v2, v38;
	v8 =	vmin.f32 v13, v10  }
0x1be: {  	v10 =	vmax.f32 v13, v10;
	v13 =	vmin.f32 v17, v9;
	v9 =	vmax.f32 v17, v9;
	v43, _, _ =	vpop (xrf1)  }
0x1bf: {  	v42 =	vperm.xlane v41, v0;
	(xrf1) =	vsort.ascd.msk.f32 $0xffff, v40, v40;
	v6 =	vmin.f32 v21, v13;
	v45, _, _ =	vpop (xrf1)  }
0x1c0: {  	v44 =	vmin.f32 v43, v19;
	v19 =	vmax.f32 v43, v19;
	(xrf1) =	vsort.ascd.msk.f32 $0xffff, v2, v2;
	v2, _, _ =	vpop (xrf1)  }
0x1c1: {  	v46 =	vmin.f32 v45, v29;
	v18 =	vmax.f32 v45, v29;
	(xrf1) =	vsort.ascd.msk.f32 $0xffff, v8, v8;
	v47, _, _ =	vpop (xrf1)  }
0x1c2: {  	v8 =	vmin.f32 v44, v46;
	v16 =	vmax.f32 v44, v46;
	v48 =	vmin.f32 v19, v18;
	v50, _, _ =	vpop (xrf1)  }
0x1c3: {  	v18 =	vmax.f32 v19, v18;
	(xrf1) =	vsort.ascd.msk.f32 $0xffff, v10, v10;
	v49 =	vperm.xlane v47, v0;
	v52, _, _ =	vpop (xrf1)  }
0x1c4: {  	v51 =	vperm.xlane v50, v0;
	(xrf1) =	vsort.ascd.msk.f32 $0xffff, v8, v8;
	v50 =	vmax.f32 v21, v13;
	v53, _, _ =	vpop (xrf1)  }
0x1c5: {  	v8 =	vmin.f32 v52, v12;
	v12 =	vmax.f32 v52, v12;
	(xrf1) =	vsort.ascd.msk.f32 $0xffff, v16, v16;
	v55, _, _ =	vpop (xrf1)  }
0x1c6: {  	v54 =	vmin.f32 v53, v31;
	v17 =	vmax.f32 v53, v31;
	(xrf1) =	vsort.ascd.msk.f32 $0xffff, v48, v48;
	v58, _, _ =	vpop (xrf1)  }
0x1c7: {  	v53 =	vmin.f32 v11, v9;
	v56 =	vmin.f32 v8, v54;
	(xrf1) =	vsort.ascd.msk.f32 $0xffff, v18, v18;
	v60, _, _ =	vpop (xrf1)  }
0x1c8: {  	v9 =	vmax.f32 v11, v9;
	v8 =	vmax.f32 v8, v54;
	(xrf1) =	vsort.ascd.msk.f32 $0xffff, v56, v56;
	v63, _, _ =	vpop (xrf1)  }
0x1c9: {  	v57 =	vmin.f32 v12, v17;
	v59 =	vmin.f32 v55, v22;
	(xrf1) =	vsort.ascd.msk.f32 $0xffff, v8, v8;
	v29, _, _ =	vpop (xrf1)  }
0x1ca: {  	v12 =	vmax.f32 v12, v17;
	v61 =	vmax.f32 v55, v22;
	v31, _, _ =	vpop (xrf1);
	(xrf1) =	vsort.ascd.msk.f32 $0xffff, v57, v57  }
0x1cb: {  	v62 =	vmin.f32 v58, v34;
	v15 =	vmax.f32 v58, v34;
	(xrf1) =	vsort.ascd.msk.f32 $0xffff, v12, v12  }
0x1cc: {  	v28 =	vmin.f32 v60, v42;
	v8 =	vmax.f32 v60, v42;
	v35 =	vmin.f32 v59, v62  }
0x1cd: {  	v20 =	vmax.f32 v59, v62;
	v36 =	vmin.f32 v61, v15;
	(xrf1) =	vsort.ascd.msk.f32 $0xffff, v35, v35  }
0x1ce: {  	v15 =	vmax.f32 v61, v15;
	v30 =	vmin.f32 v63, v23;
	v37, _, _ =	vpop (xrf1);
	(xrf1) =	vsort.ascd.msk.f32 $0xffff, v20, v20  }
0x1cf: {  	v32 =	vmax.f32 v63, v23;
	v33 =	vmin.f32 v29, v51;
	v39, _, _ =	vpop (xrf1);
	(xrf1) =	vsort.ascd.msk.f32 $0xffff, v36, v36  }
0x1d0: {  	v10 =	vmax.f32 v29, v51;
	v38 =	vmin.f32 v28, v30;
	v41, _, _ =	vpop (xrf1);
	(xrf1) =	vsort.ascd.msk.f32 $0xffff, v15, v15  }
0x1d1: {  	v14 =	vmax.f32 v28, v30;
	v40 =	vmin.f32 v8, v32;
	v8 =	vmax.f32 v8, v32;
	v44, _, _ =	vpop (xrf1)  }
0x1d2: {  	v57 =	vmin.f32 v4, v5;
	v4 =	vmax.f32 v4, v5;
	(xrf1) =	vsort.ascd.msk.f32 $0xffff, v38, v38;
	v45, _, _ =	vpop (xrf1)  }
0x1d3: {  	v34 =	vmin.f32 v31, v49;
	v17 =	vmax.f32 v31, v49;
	(xrf1) =	vsort.ascd.msk.f32 $0xffff, v14, v14;
	v47, _, _ =	vpop (xrf1)  }
0x1d4: {  	v42 =	vmin.f32 v33, v34;
	v12 =	vmax.f32 v33, v34;
	(xrf1) =	vsort.ascd.msk.f32 $0xffff, v40, v40;
	v48, _, _ =	vpop (xrf1)  }
0x1d5: {  	v43 =	vmin.f32 v10, v17;
	v10 =	vmax.f32 v10, v17;
	(xrf1) =	vsort.ascd.msk.f32 $0xffff, v8, v8;
	v7, _, _ =	vpop (xrf1)  }
0x1d6: {  	v18 =	vperm.xlane v37, v0;
	v46 =	vperm.xlane v39, v0;
	(xrf1) =	vsort.ascd.msk.f32 $0xffff, v42, v42;
	v49, _, _ =	vpop (xrf1)  }
0x1d7: {  	v16 =	vperm.xlane v41, v0;
	v17 =	vperm.xlane v44, v0;
	(xrf1) =	vsort.ascd.msk.f32 $0xffff, v12, v12;
	v51, _, _ =	vpop (xrf1)  }
0x1d8: {  	v19 =	vperm.xlane v45, v0;
	v20 =	vperm.xlane v47, v0;
	(xrf1) =	vsort.ascd.msk.f32 $0xffff, v43, v43;
	v54, _, _ =	vpop (xrf1)  }
0x1d9: {  	v8 =	vperm.xlane v48, v0;
	v7 =	vperm.xlane v7, v0;
	v56, _, _ =	vpop (xrf1);
	(xrf1) =	vsort.ascd.msk.f32 $0xffff, v10, v10  }
0x1da: {  	v52 =	vperm.xlane v49, v0;
	v13 =	vperm.xlane v51, v0;
	(xrf1) =	vsort.ascd.msk.f32 $0xffff, v6, v6  }
0x1db: {  	v55 =	vperm.xlane v54, v0;
	v22 =	vperm.xlane v56, v0;
	v3, _, _ =	vpop (xrf1);
	(xrf1) =	vsort.ascd.msk.f32 $0xffff, v50, v50  }
0x1dc: {  	v5 =	vmin.f32 v3, v17;
	v3 =	vmax.f32 v3, v17;
	v6, _, _ =	vpop (xrf1);
	(xrf1) =	vsort.ascd.msk.f32 $0xffff, v53, v53  }
0x1dd: {  	v58 =	vmin.f32 v6, v16;
	v6 =	vmax.f32 v6, v16;
	v59, _, _ =	vpop (xrf1);
	(xrf1) =	vsort.ascd.msk.f32 $0xffff, v9, v9  }
0x1de: {  	v60 =	vmin.f32 v59, v46;
	v12 =	vmax.f32 v59, v46;
	v61, _, _ =	vpop (xrf1);
	(xrf1) =	vsort.ascd.msk.f32 $0xffff, v57, v57  }
0x1df: {  	v14 =	vmax.f32 v61, v18;
	v63 =	vmin.f32 v5, v60;
	v5 =	vmax.f32 v5, v60  }
0x1e0: {  	v62, _, _ =	vpop (xrf1);
	v37 =	vmin.f32 v3, v12;
	v3 =	vmax.f32 v3, v12;
	(xrf1) =	vsort.ascd.msk.f32 $0xffff, v4, v4  }
0x1e1: {  	v4 =	vmin.f32 v61, v18;
	v30 =	vmin.f32 v62, v7;
	v7 =	vmax.f32 v62, v7  }
0x1e2: {  	v31, _, _ =	vpop (xrf1);
	v42 =	vmin.f32 v6, v14;
	v6 =	vmax.f32 v6, v14;
	v32 =	vmin.f32 v58, v4  }
0x1e3: {  	v33 =	vmin.f32 v31, v8;
	v8 =	vmax.f32 v31, v8;
	v4 =	vmax.f32 v58, v4  }
0x1e4: {  	v34, _, _ =	vpop (xrf1);
	v51 =	vmin.f32 v37, v42;
	v54 =	vmin.f32 v3, v6;
	v3 =	vmax.f32 v3, v6  }
0x1e5: {  	v35 =	vmin.f32 v34, v20;
	v36, _, _ =	vpop (xrf1);
	v20 =	vmax.f32 v34, v20;
	v47 =	vmin.f32 v63, v32  }
0x1e6: {  	v16 =	vmax.f32 v63, v32;
	v50 =	vmin.f32 v5, v4;
	v4 =	vmax.f32 v5, v4;
	v39, _, _ =	vpop (xrf1)  }
0x1e7: {  	v38 =	vmin.f32 v36, v19;
	v18 =	vmax.f32 v36, v19;
	(xrf1) =	vsort.ascd.msk.f32 $0xffff, v47, v47;
	v41, _, _ =	vpop (xrf1)  }
0x1e8: {  	v48 =	vmin.f32 v30, v35;
	v9 =	vmax.f32 v30, v35;
	v44, _, _ =	vpop (xrf1);
	(xrf1) =	vsort.ascd.msk.f32 $0xffff, v16, v16  }
0x1e9: {  	v53 =	vmin.f32 v7, v20;
	v7 =	vmax.f32 v7, v20;
	(xrf1) =	vsort.ascd.msk.f32 $0xffff, v50, v50  }
0x1ea: {  	v40 =	vmin.f32 v39, v22;
	v22 =	vmax.f32 v39, v22;
	(xrf1) =	vsort.ascd.msk.f32 $0xffff, v4, v4  }
0x1eb: {  	v5 =	vmin.f32 v33, v38;
	v6 =	vmin.f32 v8, v18;
	v46, _, _ =	vpop (xrf1);
	(xrf1) =	vsort.ascd.msk.f32 $0xffff, v51, v51  }
0x1ec: {  	v49 =	vmin.f32 v46, v52;
	v15 =	vmax.f32 v46, v52;
	v52 =	vmax.f32 v37, v42  }
0x1ed: {  	v43 =	vmin.f32 v41, v55;
	v11 =	vmax.f32 v41, v55;
	(xrf1) =	vsort.ascd.msk.f32 $0xffff, v52, v52  }
0x1ee: {  	v55 =	vmin.f32 v48, v5;
	v5 =	vmax.f32 v48, v5;
	(xrf1) =	vsort.ascd.msk.f32 $0xffff, v54, v54  }
0x1ef: {  	s23 =	simm.s32 $0xC100;
	v58 =	vmin.f32 v53, v6;
	v6 =	vmax.f32 v53, v6;
	(xrf1) =	vsort.ascd.msk.f32 $0xffff, v3, v3  }
0x1f0: {  	[tilespmem:s23+$0xF0] =	vst v2;
	v45 =	vmin.f32 v44, v13;
	v4 =	vmax.f32 v33, v38;
	v2, _, _ =	vpop (xrf1);
	(xrf1) =	vsort.ascd.msk.f32 $0xffff, v55, v55  }
0x1f1: {  	v13 =	vmax.f32 v44, v13;
	v56 =	vmin.f32 v9, v4;
	[tilespmem:s23+$0x80] =	vst v2;
	v2, _, _ =	vpop (xrf1);
	(xrf1) =	vsort.ascd.msk.f32 $0xffff, v5, v5  }
0x1f2: {  	v59 =	vmin.f32 v22, v13;
	v4 =	vmax.f32 v9, v4;
	[tilespmem:s23+$0x90] =	vst v2;
	v2, _, _ =	vpop (xrf1);
	(xrf1) =	vsort.ascd.msk.f32 $0xffff, v56, v56  }
0x1f3: {  	v57 =	vmin.f32 v43, v49;
	v3 =	vmax.f32 v8, v18;
	[tilespmem:s23+$0xA0] =	vst v2;
	v2, _, _ =	vpop (xrf1);
	(xrf1) =	vsort.ascd.msk.f32 $0xffff, v4, v4  }
0x1f4: {  	v8 =	vmin.f32 v40, v45;
	[tilespmem:s23+$0xB0] =	vst v2;
	v2, _, _ =	vpop (xrf1);
	v60 =	vmin.f32 v7, v3;
	(xrf1) =	vsort.ascd.msk.f32 $0xffff, v58, v58  }
0x1f5: {  	v61 =	vmin.f32 v8, v57;
	v8 =	vmax.f32 v8, v57;
	[tilespmem:s23+$0xC0] =	vst v2;
	v2, _, _ =	vpop (xrf1);
	(xrf1) =	vsort.ascd.msk.f32 $0xffff, v6, v6  }
0x1f6: {  	v5 =	vmax.f32 v40, v45;
	[tilespmem:s23+$0xD0] =	vst v2;
	v2 =	vmax.f32 v7, v3;
	v3, _, _ =	vpop (xrf1);
	(xrf1) =	vsort.ascd.msk.f32 $0xffff, v60, v60  }
0x1f7: {  	v7 =	vmin.f32 v11, v15;
	v4 =	vmax.f32 v43, v49;
	[tilespmem:s23+$0xFFFFFF00] =	vst v3;
	v3, _, _ =	vpop (xrf1);
	(xrf1) =	vsort.ascd.msk.f32 $0xffff, v2, v2  }
0x1f8: {  	v62 =	vmin.f32 v5, v4;
	v6 =	vmax.f32 v22, v13;
	[tilespmem:s23+$0xFFFFFF10] =	vst v3;
	v3, _, _ =	vpop (xrf1);
	(xrf1) =	vsort.ascd.msk.f32 $0xffff, v61, v61  }
0x1f9: {  	v63 =	vmax.f32 v5, v4;
	v5 =	vmin.f32 v59, v7;
	[tilespmem:s23+$0xFFFFFF20] =	vst v3;
	v3, _, _ =	vpop (xrf1);
	(xrf1) =	vsort.ascd.msk.f32 $0xffff, v8, v8  }
0x1fa: {  	v4 =	vmax.f32 v59, v7;
	v2 =	vmax.f32 v11, v15;
	[tilespmem:s23+$0xFFFFFF30] =	vst v3;
	v7, _, _ =	vpop (xrf1);
	(xrf1) =	vsort.ascd.msk.f32 $0xffff, v62, v62  }
0x1fb: {  	s25 =	simm.s32 $0x4300;
	s21 =	sadd.s32 $0x1, s21;
	s24 =	simm.s32 $0x0;
	v3 =	vmin.f32 v6, v2;
	v2 =	vmax.f32 v6, v2;
	[tilespmem:s23+$0xFFFFFF40] =	vst v7;
	v6, _, _ =	vpop (xrf1);
	(xrf1) =	vsort.ascd.msk.f32 $0xffff, v63, v63  }
.LBB2_5:
0x1fc: {  	v7 =	vld [tilespmem:s25+$0x90];
	[tilespmem:s23+$0xFFFFFF50] =	vst v6;
	v6, _, _ =	vpop (xrf1);
	(xrf1) =	vsort.ascd.msk.f32 $0xffff, v5, v5  }
0x1fd: {  	v5 =	vld [tilespmem:s25+$0x80];
	[tilespmem:s23+$0xFFFFFF60] =	vst v6;
	v6, _, _ =	vpop (xrf1);
	(xrf1) =	vsort.ascd.msk.f32 $0xffff, v4, v4  }
0x1fe: {  	v4 =	vld [tilespmem:s25+$0xB0];
	[tilespmem:s23+$0xFFFFFF70] =	vst v6;
	v6, _, _ =	vpop (xrf1);
	(xrf1) =	vsort.ascd.msk.f32 $0xffff, v3, v3  }
0x1ff: {  	v3 =	vld [tilespmem:s25+$0xA0];
	[tilespmem:s23+$0xFFFFFF80] =	vst v6;
	v6, _, _ =	vpop (xrf1);
	(xrf1) =	vsort.ascd.msk.f32 $0xffff, v2, v2  }
0x200: {  	v2 =	vld [tilespmem:s25+$0xF0];
	[tilespmem:s23+$0xFFFFFF90] =	vst v6;
	v6, _, _ =	vpop (xrf1);
	(xrf1) =	vsort.ascd.msk.f32 $0xffff, v1, v1  }
0x201: {  	v1 =	vld [tilespmem:s25+$0xD0];
	(xrf1) =	vsort.ascd.msk.f32 $0xffff, v7, v7;
	[tilespmem:s23+$0xFFFFFFA0] =	vst v6;
	v6, _, _ =	vpop (xrf1)  }
0x202: {  	v7 =	vld [tilespmem:s25+$0xE0];
	(xrf1) =	vsort.ascd.msk.f32 $0xffff, v5, v5;
	[tilespmem:s23+$0xFFFFFFB0] =	vst v6;
	v5, _, _ =	vpop (xrf1)  }
0x203: {  	v6 =	vld [tilespmem:s25+$0xFFFFFF70];
	(xrf1) =	vsort.ascd.msk.f32 $0xffff, v4, v4;
	[tilespmem:s23+$0xFFFFFFC0] =	vst v5;
	v4, _, _ =	vpop (xrf1)  }
0x204: {  	s24 =	sadd.s32 $0x4, s24;
	v5 =	vld [tilespmem:s25+$0xC0];
	(xrf1) =	vsort.ascd.msk.f32 $0xffff, v3, v3;
	[tilespmem:s23+$0xFFFFFFD0] =	vst v4;
	v3, _, _ =	vpop (xrf1)  }
0x205: {  	p1 =	slt.u32 s24, $0x7C;
	v4 =	vld [tilespmem:s25+$0xFFFFFFF0];
	(xrf1) =	vsort.ascd.msk.f32 $0xffff, v2, v2;
	[tilespmem:s23+$0xFFFFFFE0] =	vst v3;
	v2, _, _ =	vpop (xrf1)  }
0x206: {  	v3 =	vld [tilespmem:s25+$0x70];
	(xrf1) =	vsort.ascd.msk.f32 $0xffff, v1, v1;
	[tilespmem:s23+$0xFFFFFFF0] =	vst v2;
	v1, _, _ =	vpop (xrf1)  }
0x207: {  	v2 =	vld [tilespmem:s25+$0xFFFFFF30];
	(xrf1) =	vsort.ascd.msk.f32 $0xffff, v7, v7;
	[tilespmem:s23+$0x0] =	vst v1;
	v1, _, _ =	vpop (xrf1)  }
0x208: {  	v7 =	vld [tilespmem:s25+$0xFFFFFF50];
	(xrf1) =	vsort.ascd.msk.f32 $0xffff, v6, v6;
	[tilespmem:s23+$0x10] =	vst v1;
	v1, _, _ =	vpop (xrf1)  }
0x209: {  	v6 =	vld [tilespmem:s25+$0xFFFFFF60];
	(xrf1) =	vsort.ascd.msk.f32 $0xffff, v5, v5;
	[tilespmem:s23+$0x20] =	vst v1;
	v1, _, _ =	vpop (xrf1)  }
0x20a: {  	v5 =	vld [tilespmem:s25+$0xFFFFFFB0];
	(xrf1) =	vsort.ascd.msk.f32 $0xffff, v4, v4;
	[tilespmem:s23+$0x30] =	vst v1;
	v1, _, _ =	vpop (xrf1)  }
0x20b: {  	v4 =	vld [tilespmem:s25+$0xFFFFFFD0];
	(xrf1) =	vsort.ascd.msk.f32 $0xffff, v3, v3;
	[tilespmem:s23+$0x40] =	vst v1;
	v1, _, _ =	vpop (xrf1)  }
0x20c: {  	v3 =	vld [tilespmem:s25+$0xFFFFFFE0];
	(xrf1) =	vsort.ascd.msk.f32 $0xffff, v2, v2;
	[tilespmem:s23+$0x50] =	vst v1;
	v1, _, _ =	vpop (xrf1)  }
0x20d: {  	v2 =	vld [tilespmem:s25+$0x30];
	(xrf1) =	vsort.ascd.msk.f32 $0xffff, v7, v7;
	[tilespmem:s23+$0x60] =	vst v1;
	v1, _, _ =	vpop (xrf1)  }
0x20e: {  	v7 =	vld [tilespmem:s25+$0x50];
	(xrf1) =	vsort.ascd.msk.f32 $0xffff, v6, v6;
	[tilespmem:s23+$0x70] =	vst v1;
	v1, _, _ =	vpop (xrf1)  }
0x20f: {  	v6 =	vld [tilespmem:s25+$0x60];
	(xrf1) =	vsort.ascd.msk.f32 $0xffff, v5, v5;
	v5, _, _ =	vpop (xrf1);
	[tilespmem:s23+$0xE0] =	vst v1  }
0x210: {  	v1 =	vld [tilespmem:s25+$0xFFFFFF10];
	v12 =	vperm.xlane v5, v0;
	(xrf1) =	vsort.ascd.msk.f32 $0xffff, v4, v4;
	v4, _, _ =	vpop (xrf1)  }
0x211: {  	v8 =	vld [tilespmem:s25+$0xFFFFFF20];
	(xrf1) =	vsort.ascd.msk.f32 $0xffff, v3, v3;
	v3, _, _ =	vpop (xrf1)  }
0x212: {  	v9 =	vld [tilespmem:s25+$0xFFFFFF40];
	v10 =	vmin.f32 v4, v12;
	v14 =	vperm.xlane v3, v0;
	(xrf1) =	vsort.ascd.msk.f32 $0xffff, v2, v2;
	v2, _, _ =	vpop (xrf1)  }
0x213: {  	v4 =	vmax.f32 v4, v12;
	v11 =	vld [tilespmem:s25+$0xFFFFFF90];
	v5, _, _ =	vpop (xrf1);
	(xrf1) =	vsort.ascd.msk.f32 $0xffff, v10, v10  }
0x214: {  	v10 =	vld [tilespmem:s25+$0xFFFFFFA0];
	v12 =	vmin.f32 v2, v14;
	v16 =	vperm.xlane v5, v0;
	v13, _, _ =	vpop (xrf1);
	(xrf1) =	vsort.ascd.msk.f32 $0xffff, v4, v4  }
0x215: {  	v2 =	vmax.f32 v2, v14;
	v4 =	vld [tilespmem:s25+$0xFFFFFFC0];
	v3, _, _ =	vpop (xrf1);
	(xrf1) =	vsort.ascd.msk.f32 $0xffff, v12, v12  }
0x216: {  	v18 =	vperm.xlane v13, v0;
	v12 =	vld [tilespmem:s25+$0x10];
	v14 =	vmax.f32 v3, v16;
	v15, _, _ =	vpop (xrf1);
	(xrf1) =	vsort.ascd.msk.f32 $0xffff, v2, v2  }
0x217: {  	v3 =	vmin.f32 v3, v16;
	v2 =	vperm.xlane v15, v0;
	v15 =	vld [tilespmem:s25+$0x20];
	v5, _, _ =	vpop (xrf1);
	(xrf1) =	vsort.ascd.msk.f32 $0xffff, v14, v14  }
0x218: {  	v14 =	vld [tilespmem:s25+$0x40];
	v16 =	vmin.f32 v5, v18;
	v17, _, _ =	vpop (xrf1);
	(xrf1) =	vsort.ascd.msk.f32 $0xffff, v3, v3  }
0x219: {  	v5 =	vmax.f32 v5, v18;
	v3 =	vld [tilespmem:s25+$0xFFFFFF80];
	v17 =	vperm.xlane v17, v0;
	v13, _, _ =	vpop (xrf1);
	(xrf1) =	vsort.ascd.msk.f32 $0xffff, v16, v16  }
0x21a: {  	v16 =	vld [tilespmem:s25+$0x0];
	v13 =	vperm.xlane v13, v0;
	v18, _, _ =	vpop (xrf1);
	(xrf1) =	vsort.ascd.msk.f32 $0xffff, v5, v5  }
0x21b: {  	v5 =	vld [tilespmem:s25+$0xFFFFFF00];
	v18 =	vperm.xlane v18, v0;
	v19, _, _ =	vpop (xrf1);
	(xrf1) =	vsort.ascd.msk.f32 $0xffff, v7, v7  }
0x21c: {  	v7 =	vperm.xlane v19, v0;
	v19, _, _ =	vpop (xrf1);
	(xrf1) =	vsort.ascd.msk.f32 $0xffff, v6, v6  }
0x21d: {  	v6 =	vmin.f32 v19, v2;
	v2 =	vmax.f32 v19, v2;
	(xrf1) =	vsort.ascd.msk.f32 $0xffff, v1, v1;
	v1, _, _ =	vpop (xrf1)  }
0x21e: {  	v1 =	vperm.xlane v1, v0;
	(xrf1) =	vsort.ascd.msk.f32 $0xffff, v8, v8;
	v8, _, _ =	vpop (xrf1)  }
0x21f: {  	v8 =	vperm.xlane v8, v0;
	(xrf1) =	vsort.ascd.msk.f32 $0xffff, v9, v9;
	v9, _, _ =	vpop (xrf1)  }
0x220: {  	v19 =	vmin.f32 v9, v17;
	v9 =	vmax.f32 v9, v17;
	(xrf1) =	vsort.ascd.msk.f32 $0xffff, v11, v11;
	v11, _, _ =	vpop (xrf1)  }
0x221: {  	v11 =	vperm.xlane v11, v0;
	(xrf1) =	vsort.ascd.msk.f32 $0xffff, v10, v10;
	v10, _, _ =	vpop (xrf1)  }
0x222: {  	(xrf1) =	vsort.ascd.msk.f32 $0xffff, v4, v4;
	v4, _, _ =	vpop (xrf1)  }
0x223: {  	(xrf1) =	vsort.ascd.msk.f32 $0xffff, v12, v12;
	v12, _, _ =	vpop (xrf1)  }
0x224: {  	(xrf1) =	vsort.ascd.msk.f32 $0xffff, v15, v15;
	v15, _, _ =	vpop (xrf1)  }
0x225: {  	v12 =	vperm.xlane v12, v0;
	v15 =	vperm.xlane v15, v0;
	(xrf1) =	vsort.ascd.msk.f32 $0xffff, v14, v14;
	v14, _, _ =	vpop (xrf1)  }
0x226: {  	v14 =	vperm.xlane v14, v0;
	(xrf1) =	vsort.ascd.msk.f32 $0xffff, v5, v5;
	v5, _, _ =	vpop (xrf1)  }
0x227: {  	v20 =	vmin.f32 v4, v12;
	v17 =	vmin.f32 v10, v15;
	v5 =	vperm.xlane v5, v0;
	v21, _, _ =	vpop (xrf1)  }
0x228: {  	v25 =	vmin.f32 v17, v20;
	v23 =	vmin.f32 v21, v14;
	v14 =	vmax.f32 v21, v14;
	v21, _, _ =	vpop (xrf1)  }
0x229: {  	v17 =	vmax.f32 v17, v20;
	v20 =	vmin.f32 v21, v5;
	v24, _, _ =	vpop (xrf1);
	(xrf1) =	vsort.ascd.msk.f32 $0xffff, v25, v25  }
0x22a: {  	v5 =	vmax.f32 v21, v5;
	v21 =	vmin.f32 v23, v20;
	v22, _, _ =	vpop (xrf1);
	(xrf1) =	vsort.ascd.msk.f32 $0xffff, v17, v17  }
0x22b: {  	v25 =	vmin.f32 v14, v5;
	v17 =	vmin.f32 v22, v13;
	v26, _, _ =	vpop (xrf1);
	(xrf1) =	vsort.ascd.msk.f32 $0xffff, v21, v21  }
0x22c: {  	v10 =	vmax.f32 v10, v15;
	v5 =	vmax.f32 v14, v5;
	v14, _, _ =	vpop (xrf1);
	(xrf1) =	vsort.ascd.msk.f32 $0xffff, v25, v25  }
0x22d: {  	v4 =	vmax.f32 v4, v12;
	v12 =	vmax.f32 v23, v20;
	v15, _, _ =	vpop (xrf1);
	(xrf1) =	vsort.ascd.msk.f32 $0xffff, v5, v5  }
0x22e: {  	v5 =	vmax.f32 v22, v13;
	v13 =	vmin.f32 v10, v4;
	v20, _, _ =	vpop (xrf1);
	(xrf1) =	vsort.ascd.msk.f32 $0xffff, v12, v12  }
0x22f: {  	v4 =	vmax.f32 v10, v4;
	v12 =	vperm.xlane v24, v0;
	v10, _, _ =	vpop (xrf1);
	(xrf1) =	vsort.ascd.msk.f32 $0xffff, v13, v13  }
0x230: {  	v13 =	vmin.f32 v14, v18;
	v14 =	vmax.f32 v14, v18;
	v18, _, _ =	vpop (xrf1);
	(xrf1) =	vsort.ascd.msk.f32 $0xffff, v4, v4  }
0x231: {  	v4 =	vmin.f32 v15, v7;
	v7 =	vmax.f32 v15, v7;
	(xrf1) =	vsort.ascd.msk.f32 $0xffff, v3, v3;
	v3, _, _ =	vpop (xrf1)  }
0x232: {  	v15 =	vmin.f32 v10, v1;
	v1 =	vmax.f32 v10, v1;
	(xrf1) =	vsort.ascd.msk.f32 $0xffff, v16, v16;
	v10, _, _ =	vpop (xrf1)  }
0x233: {  	v16 =	vmin.f32 v18, v8;
	v8 =	vmax.f32 v18, v8;
	(xrf1) =	vsort.ascd.msk.f32 $0xffff, v6, v6;
	v6, _, _ =	vpop (xrf1)  }
0x234: {  	v18 =	vmin.f32 v10, v11;
	v10 =	vmax.f32 v10, v11;
	v11, _, _ =	vpop (xrf1);
	(xrf1) =	vsort.ascd.msk.f32 $0xffff, v2, v2  }
0x235: {  	v21 =	vmin.f32 v6, v12;
	v12 =	vmax.f32 v6, v12;
	(xrf1) =	vsort.ascd.msk.f32 $0xffff, v19, v19  }
0x236: {  	v6 =	vperm.xlane v26, v0;
	v19 =	vperm.xlane v20, v0;
	(xrf1) =	vsort.ascd.msk.f32 $0xffff, v9, v9  }
0x237: {  	v9 =	vperm.xlane v3, v0;
	(xrf1) =	vsort.ascd.msk.f32 $0xffff, v17, v17;
	v3, _, _ =	vpop (xrf1)  }
0x238: {  	v17 =	vmin.f32 v11, v6;
	v11 =	vmax.f32 v11, v6;
	(xrf1) =	vsort.ascd.msk.f32 $0xffff, v5, v5;
	v20, _, _ =	vpop (xrf1)  }
0x239: {  	(xrf1) =	vsort.ascd.msk.f32 $0xffff, v13, v13;
	v2, _, _ =	vpop (xrf1)  }
0x23a: {  	(xrf1) =	vsort.ascd.msk.f32 $0xffff, v14, v14;
	v5, _, _ =	vpop (xrf1)  }
0x23b: {  	(xrf1) =	vsort.ascd.msk.f32 $0xffff, v4, v4;
	v4, _, _ =	vpop (xrf1)  }
0x23c: {  	v13 =	vperm.xlane v5, v0;
	v4 =	vperm.xlane v4, v0;
	(xrf1) =	vsort.ascd.msk.f32 $0xffff, v7, v7;
	v5, _, _ =	vpop (xrf1)  }
0x23d: {  	v14 =	vperm.xlane v2, v0;
	v7 =	vperm.xlane v5, v0;
	(xrf1) =	vsort.ascd.msk.f32 $0xffff, v15, v15;
	v15, _, _ =	vpop (xrf1)  }
0x23e: {  	v22 =	vmin.f32 v3, v4;
	v3 =	vmax.f32 v3, v4;
	(xrf1) =	vsort.ascd.msk.f32 $0xffff, v1, v1;
	v23, _, _ =	vpop (xrf1)  }
0x23f: {  	v4 =	vmax.f32 v20, v13;
	v6 =	vmax.f32 v15, v7;
	v5 =	vmax.f32 v23, v14;
	v24, _, _ =	vpop (xrf1)  }
0x240: {  	v1 =	vmax.f32 v3, v6;
	v2 =	vmax.f32 v4, v5;
	(xrf1) =	vsort.ascd.msk.f32 $0xffff, v16, v16;
	v16, _, _ =	vpop (xrf1)  }
0x241: {  	v25 =	vmin.f32 v24, v19;
	v26 =	vmax.f32 v1, v2;
	v27, _, _ =	vpop (xrf1);
	(xrf1) =	vsort.ascd.msk.f32 $0xffff, v8, v8  }
0x242: {  	v19 =	vmax.f32 v24, v19;
	v24 =	vmin.f32 v16, v9;
	v8, _, _ =	vpop (xrf1);
	(xrf1) =	vsort.ascd.msk.f32 $0xffff, v26, v26  }
0x243: {  	v9 =	vmax.f32 v16, v9;
	v26 =	vperm.xlane v8, v0;
	v8, _, _ =	vpop (xrf1);
	(xrf1) =	vsort.ascd.msk.f32 $0xffff, v18, v18  }
0x244: {  	v16 =	vperm.xlane v27, v0;
	v18 =	vperm.xlane v8, v0;
	v8, _, _ =	vpop (xrf1);
	(xrf1) =	vsort.ascd.msk.f32 $0xffff, v10, v10  }
0x245: {  	v13 =	vmin.f32 v20, v13;
	v10 =	vperm.xlane v8, v0;
	(xrf1) =	vsort.ascd.msk.f32 $0xffff, v21, v21;
	v8, _, _ =	vpop (xrf1)  }
0x246: {  	v7 =	vmin.f32 v15, v7;
	v20 =	vperm.xlane v8, v0;
	(xrf1) =	vsort.ascd.msk.f32 $0xffff, v12, v12;
	v8, _, _ =	vpop (xrf1)  }
0x247: {  	v14 =	vmin.f32 v23, v14;
	v12 =	vperm.xlane v8, v0;
	(xrf1) =	vsort.ascd.msk.f32 $0xffff, v17, v17;
	v8, _, _ =	vpop (xrf1)  }
0x248: {  	v15 =	vperm.xlane v8, v0;
	v8 =	vmin.f32 v22, v7;
	(xrf1) =	vsort.ascd.msk.f32 $0xffff, v11, v11;
	v11, _, _ =	vpop (xrf1)  }
0x249: {  	v7 =	vmax.f32 v22, v7;
	v11 =	vperm.xlane v11, v0;
	v17, _, _ =	vpop (xrf1);
	(xrf1) =	vsort.ascd.msk.f32 $0xffff, v25, v25  }
0x24a: {  	v21 =	vmin.f32 v17, v26;
	v17 =	vmax.f32 v17, v26;
	v22, _, _ =	vpop (xrf1);
	(xrf1) =	vsort.ascd.msk.f32 $0xffff, v19, v19  }
0x24b: {  	v19 =	vmin.f32 v22, v16;
	v16 =	vmax.f32 v22, v16;
	v22, _, _ =	vpop (xrf1);
	(xrf1) =	vsort.ascd.msk.f32 $0xffff, v24, v24  }
0x24c: {  	v25 =	vmin.f32 v21, v19;
	v22 =	vperm.xlane v22, v0;
	v24, _, _ =	vpop (xrf1);
	(xrf1) =	vsort.ascd.msk.f32 $0xffff, v9, v9  }
0x24d: {  	v26 =	vmax.f32 v21, v19;
	v19 =	vmin.f32 v17, v16;
	v21 =	vperm.xlane v24, v0  }
0x24e: {  	v16 =	vmax.f32 v17, v16;
	v17 =	vmin.f32 v13, v14;
	(xrf1) =	vsort.ascd.msk.f32 $0xffff, v25, v25;
	v23, _, _ =	vpop (xrf1)  }
0x24f: {  	v24 =	vmin.f32 v23, v10;
	v10 =	vmax.f32 v23, v10;
	(xrf1) =	vsort.ascd.msk.f32 $0xffff, v26, v26;
	v9, _, _ =	vpop (xrf1)  }
0x250: {  	s23 =	sadd.s32 $0x200, s23;
	v23 =	vmin.f32 v9, v18;
	v9 =	vmax.f32 v9, v18;
	(xrf1) =	vsort.ascd.msk.f32 $0xffff, v19, v19;
	v18, _, _ =	vpop (xrf1)  }
0x251: {  	v19 =	vmin.f32 v24, v23;
	v23 =	vmax.f32 v24, v23;
	v24 =	vmin.f32 v10, v9;
	[tilespmem:s23+$0xF0] =	vst v18;
	v18, _, _ =	vpop (xrf1)  }
0x252: {  	v9 =	vmax.f32 v10, v9;
	v10 =	vperm.xlane v18, v0;
	(xrf1) =	vsort.ascd.msk.f32 $0xffff, v16, v16;
	v16, _, _ =	vpop (xrf1)  }
0x253: {  	v13 =	vmax.f32 v13, v14;
	v16 =	vperm.xlane v16, v0;
	(xrf1) =	vsort.ascd.msk.f32 $0xffff, v19, v19;
	v14, _, _ =	vpop (xrf1)  }
0x254: {  	v18 =	vmin.f32 v14, v12;
	v12 =	vmax.f32 v14, v12;
	(xrf1) =	vsort.ascd.msk.f32 $0xffff, v23, v23;
	v14, _, _ =	vpop (xrf1)  }
0x255: {  	v19 =	vmin.f32 v14, v20;
	v26 =	vmax.f32 v14, v20;
	v20, _, _ =	vpop (xrf1);
	(xrf1) =	vsort.ascd.msk.f32 $0xffff, v24, v24  }
0x256: {  	v23 =	vmin.f32 v18, v19;
	v18 =	vmax.f32 v18, v19;
	v19 =	vmin.f32 v12, v26;
	v24, _, _ =	vpop (xrf1)  }
0x257: {  	v25 =	vmin.f32 v20, v11;
	v12 =	vmax.f32 v12, v26;
	v14, _, _ =	vpop (xrf1);
	(xrf1) =	vsort.ascd.msk.f32 $0xffff, v9, v9  }
0x258: {  	v9 =	vmax.f32 v20, v11;
	v11 =	vmin.f32 v24, v15;
	v20, _, _ =	vpop (xrf1);
	(xrf1) =	vsort.ascd.msk.f32 $0xffff, v23, v23  }
0x259: {  	v15 =	vmax.f32 v24, v15;
	v23 =	vmin.f32 v14, v21;
	v24, _, _ =	vpop (xrf1);
	(xrf1) =	vsort.ascd.msk.f32 $0xffff, v18, v18  }
0x25a: {  	v14 =	vmax.f32 v14, v21;
	v18 =	vmin.f32 v20, v22;
	v21, _, _ =	vpop (xrf1);
	(xrf1) =	vsort.ascd.msk.f32 $0xffff, v19, v19  }
0x25b: {  	v19 =	vmax.f32 v20, v22;
	v20 =	vmin.f32 v24, v16;
	(xrf1) =	vsort.ascd.msk.f32 $0xffff, v12, v12  }
0x25c: {  	v12 =	vmax.f32 v24, v16;
	v16 =	vmin.f32 v21, v10;
	v10 =	vmax.f32 v21, v10;
	v21, _, _ =	vpop (xrf1)  }
0x25d: {  	v22 =	vmin.f32 v25, v11;
	v11 =	vmax.f32 v25, v11;
	v24 =	vmin.f32 v9, v15;
	v25, _, _ =	vpop (xrf1)  }
0x25e: {  	v9 =	vmax.f32 v9, v15;
	v15 =	vmin.f32 v23, v18;
	v18 =	vmax.f32 v23, v18;
	v23, _, _ =	vpop (xrf1)  }
0x25f: {  	v26 =	vmin.f32 v14, v19;
	v14 =	vmax.f32 v14, v19;
	v19 =	vmin.f32 v20, v16  }
0x260: {  	v16 =	vmax.f32 v20, v16;
	v20 =	vmin.f32 v12, v10;
	v10 =	vmax.f32 v12, v10;
	v12, _, _ =	vpop (xrf1)  }
0x261: {  	v23 =	vperm.xlane v23, v0;
	v12 =	vperm.xlane v12, v0;
	(xrf1) =	vsort.ascd.msk.f32 $0xffff, v22, v22;
	v22, _, _ =	vpop (xrf1)  }
0x262: {  	v21 =	vperm.xlane v21, v0;
	v25 =	vperm.xlane v25, v0;
	(xrf1) =	vsort.ascd.msk.f32 $0xffff, v11, v11;
	v11, _, _ =	vpop (xrf1)  }
0x263: {  	v22 =	vperm.xlane v22, v0;
	v11 =	vperm.xlane v11, v0;
	(xrf1) =	vsort.ascd.msk.f32 $0xffff, v24, v24;
	v24, _, _ =	vpop (xrf1)  }
0x264: {  	v3 =	vmin.f32 v3, v6;
	v24 =	vperm.xlane v24, v0;
	(xrf1) =	vsort.ascd.msk.f32 $0xffff, v9, v9  }
0x265: {  	v4 =	vmin.f32 v4, v5;
	v5 =	vmin.f32 v8, v17;
	(xrf1) =	vsort.ascd.msk.f32 $0xffff, v15, v15;
	v6, _, _ =	vpop (xrf1)  }
0x266: {  	v8 =	vmax.f32 v8, v17;
	v6 =	vperm.xlane v6, v0;
	(xrf1) =	vsort.ascd.msk.f32 $0xffff, v18, v18;
	v9, _, _ =	vpop (xrf1)  }
0x267: {  	v15 =	vmin.f32 v7, v13;
	v9 =	vperm.xlane v9, v0;
	(xrf1) =	vsort.ascd.msk.f32 $0xffff, v26, v26;
	v17, _, _ =	vpop (xrf1)  }
0x268: {  	v7 =	vmax.f32 v7, v13;
	v17 =	vperm.xlane v17, v0;
	(xrf1) =	vsort.ascd.msk.f32 $0xffff, v14, v14;
	v13, _, _ =	vpop (xrf1)  }
0x269: {  	v14 =	vmin.f32 v3, v4;
	v13 =	vperm.xlane v13, v0;
	(xrf1) =	vsort.ascd.msk.f32 $0xffff, v19, v19;
	v18, _, _ =	vpop (xrf1)  }
0x26a: {  	v3 =	vmax.f32 v3, v4;
	v18 =	vperm.xlane v18, v0;
	(xrf1) =	vsort.ascd.msk.f32 $0xffff, v16, v16  }
0x26b: {  	v1 =	vmin.f32 v1, v2;
	(xrf1) =	vsort.ascd.msk.f32 $0xffff, v20, v20  }
0x26c: {  	(xrf1) =	vsort.ascd.msk.f32 $0xffff, v10, v10  }
0x26d: {  	(xrf1) =	vsort.ascd.msk.f32 $0xffff, v5, v5  }
0x26e: {  	(xrf1) =	vsort.ascd.msk.f32 $0xffff, v8, v8  }
0x26f: {  	v2, _, _ =	vpop (xrf1);
	(xrf1) =	vsort.ascd.msk.f32 $0xffff, v15, v15  }
0x270: {  	v4 =	vmin.f32 v2, v12;
	v2 =	vmax.f32 v2, v12;
	v5, _, _ =	vpop (xrf1);
	(xrf1) =	vsort.ascd.msk.f32 $0xffff, v7, v7  }
0x271: {  	v7 =	vmin.f32 v5, v23;
	v5 =	vmax.f32 v5, v23;
	v8, _, _ =	vpop (xrf1);
	(xrf1) =	vsort.ascd.msk.f32 $0xffff, v14, v14  }
0x272: {  	v10 =	vmin.f32 v8, v25;
	v8 =	vmax.f32 v8, v25;
	v12, _, _ =	vpop (xrf1);
	(xrf1) =	vsort.ascd.msk.f32 $0xffff, v3, v3  }
0x273: {  	v3 =	vmin.f32 v12, v21;
	v12 =	vmax.f32 v12, v21;
	v14 =	vmin.f32 v4, v10;
	v15, _, _ =	vpop (xrf1)  }
0x274: {  	v4 =	vmax.f32 v4, v10;
	v10 =	vmin.f32 v15, v6;
	v6 =	vmax.f32 v15, v6;
	v15, _, _ =	vpop (xrf1)  }
0x275: {  	v16 =	vmin.f32 v7, v3;
	v19 =	vmin.f32 v15, v24;
	v15 =	vmax.f32 v15, v24;
	v20, _, _ =	vpop (xrf1)  }
0x276: {  	v3 =	vmax.f32 v7, v3;
	v7 =	vmin.f32 v20, v11;
	v11 =	vmax.f32 v20, v11;
	v20, _, _ =	vpop (xrf1)  }
0x277: {  	v21 =	vmin.f32 v2, v8;
	v23 =	vmin.f32 v20, v22;
	v20 =	vmax.f32 v20, v22;
	v22, _, _ =	vpop (xrf1)  }
0x278: {  	v2 =	vmax.f32 v2, v8;
	v8 =	vmin.f32 v22, v18;
	v18 =	vmax.f32 v22, v18;
	v22, _, _ =	vpop (xrf1)  }
0x279: {  	v24 =	vmin.f32 v5, v12;
	v25 =	vmin.f32 v22, v13;
	v13 =	vmax.f32 v22, v13;
	v22, _, _ =	vpop (xrf1)  }
0x27a: {  	v5 =	vmax.f32 v5, v12;
	v12 =	vmin.f32 v22, v17;
	v17 =	vmax.f32 v22, v17;
	v22, _, _ =	vpop (xrf1)  }
0x27b: {  	v26 =	vmin.f32 v10, v7;
	v27 =	vmin.f32 v22, v9;
	v9 =	vmax.f32 v22, v9;
	v22, _, _ =	vpop (xrf1)  }
0x27c: {  	v7 =	vmax.f32 v10, v7;
	v10 =	vmin.f32 v19, v23;
	v19 =	vmax.f32 v19, v23;
	[tilespmem:s23+$0x80] =	vst v22;
	v22, _, _ =	vpop (xrf1)  }
0x27d: {  	v23 =	vmin.f32 v6, v11;
	v6 =	vmax.f32 v6, v11;
	v11 =	vmin.f32 v15, v20;
	[tilespmem:s23+$0x90] =	vst v22;
	v22, _, _ =	vpop (xrf1)  }
0x27e: {  	v15 =	vmax.f32 v15, v20;
	v20 =	vmin.f32 v8, v12;
	v8 =	vmax.f32 v8, v12;
	[tilespmem:s23+$0xA0] =	vst v22;
	v12, _, _ =	vpop (xrf1)  }
0x27f: {  	v22 =	vmin.f32 v25, v27;
	v25 =	vmax.f32 v25, v27;
	v27 =	vmin.f32 v18, v17;
	[tilespmem:s23+$0xB0] =	vst v12;
	v12, _, _ =	vpop (xrf1)  }
0x280: {  	v17 =	vmax.f32 v18, v17;
	v18 =	vmin.f32 v13, v9;
	v9 =	vmax.f32 v13, v9;
	[tilespmem:s23+$0xC0] =	vst v12;
	v12, _, _ =	vpop (xrf1)  }
0x281: {  	v13 =	vmin.f32 v14, v16;
	v14 =	vmax.f32 v14, v16;
	v16 =	vmin.f32 v4, v3;
	[tilespmem:s23+$0xD0] =	vst v12  }
0x282: {  	v28 =	vmin.f32 v21, v24;
	v21 =	vmax.f32 v21, v24;
	v12 =	vmax.f32 v4, v3  }
0x283: {  	v24 =	vmin.f32 v2, v5;
	v29 =	vmax.f32 v2, v5;
	v30 =	vmin.f32 v26, v10  }
0x284: {  	v10 =	vmax.f32 v26, v10;
	v26 =	vmin.f32 v7, v19;
	v7 =	vmax.f32 v7, v19  }
0x285: {  	v19 =	vmin.f32 v23, v11;
	v11 =	vmax.f32 v23, v11;
	v23 =	vmin.f32 v6, v15  }
0x286: {  	v6 =	vmax.f32 v6, v15;
	v15 =	vmin.f32 v20, v22;
	v20 =	vmax.f32 v20, v22  }
0x287: {  	v22 =	vmin.f32 v8, v25;
	v8 =	vmax.f32 v8, v25;
	v5 =	vmin.f32 v27, v18  }
0x288: {  	v2 =	vmax.f32 v17, v9;
	v4 =	vmax.f32 v27, v18;
	v3 =	vmin.f32 v17, v9  }
0x289: {  	(xrf1) =	vsort.ascd.msk.f32 $0xffff, v13, v13  }
0x28a: {  	(xrf1) =	vsort.ascd.msk.f32 $0xffff, v14, v14  }
0x28b: {  	(xrf1) =	vsort.ascd.msk.f32 $0xffff, v16, v16  }
0x28c: {  	(xrf1) =	vsort.ascd.msk.f32 $0xffff, v12, v12  }
0x28d: {  	(xrf1) =	vsort.ascd.msk.f32 $0xffff, v28, v28  }
0x28e: {  	(xrf1) =	vsort.ascd.msk.f32 $0xffff, v21, v21  }
0x28f: {  	(xrf1) =	vsort.ascd.msk.f32 $0xffff, v24, v24  }
0x290: {  	(xrf1) =	vsort.ascd.msk.f32 $0xffff, v29, v29  }
0x291: {  	(xrf1) =	vsort.ascd.msk.f32 $0xffff, v30, v30  }
0x292: {  	(xrf1) =	vsort.ascd.msk.f32 $0xffff, v10, v10  }
0x293: {  	(xrf1) =	vsort.ascd.msk.f32 $0xffff, v26, v26  }
0x294: {  	(xrf1) =	vsort.ascd.msk.f32 $0xffff, v7, v7  }
0x295: {  	(xrf1) =	vsort.ascd.msk.f32 $0xffff, v19, v19  }
0x296: {  	(xrf1) =	vsort.ascd.msk.f32 $0xffff, v11, v11  }
0x297: {  	v7, _, _ =	vpop (xrf1);
	(xrf1) =	vsort.ascd.msk.f32 $0xffff, v23, v23  }
.Ltmp1:
0x298: {  	[tilespmem:s23+$0xFFFFFF00] =	vst v7;
	v7, _, _ =	vpop (xrf1);
	(xrf1) =	vsort.ascd.msk.f32 $0xffff, v6, v6;
	(pc) =	sbr.rel @p1 .LBB2_5-.Ltmp1, $4  }
0x299: {  	[tilespmem:s23+$0xFFFFFF10] =	vst v7;
	v6, _, _ =	vpop (xrf1);
	(xrf1) =	vsort.ascd.msk.f32 $0xffff, v15, v15  }
0x29a: {  	[tilespmem:s23+$0xFFFFFF20] =	vst v6;
	v6, _, _ =	vpop (xrf1);
	(xrf1) =	vsort.ascd.msk.f32 $0xffff, v20, v20  }
0x29b: {  	[tilespmem:s23+$0xFFFFFF30] =	vst v6;
	v6, _, _ =	vpop (xrf1);
	(xrf1) =	vsort.ascd.msk.f32 $0xffff, v22, v22  }
0x29c: {  	s25 =	sadd.s32 $0x200, s25;
	[tilespmem:s23+$0xFFFFFF40] =	vst v6;
	v6, _, _ =	vpop (xrf1);
	(xrf1) =	vsort.ascd.msk.f32 $0xffff, v8, v8  }
0x29d: {  	[tilespmem:s23+$0xFFFFFF50] =	vst v6;
	v61, _, _ =	vpop (xrf1);
	(xrf1) =	vsort.ascd.msk.f32 $0xffff, v5, v5  }
0x29e: {  	[tilespmem:s23+$0xFFFFFF60] =	vst v61;
	v62, _, _ =	vpop (xrf1);
	(xrf1) =	vsort.ascd.msk.f32 $0xffff, v4, v4  }
0x29f: {  	[tilespmem:s23+$0xFFFFFF70] =	vst v62;
	v63, _, _ =	vpop (xrf1);
	(xrf1) =	vsort.ascd.msk.f32 $0xffff, v3, v3  }
0x2a0: {  	[tilespmem:s23+$0xFFFFFF80] =	vst v63;
	v3, _, _ =	vpop (xrf1);
	(xrf1) =	vsort.ascd.msk.f32 $0xffff, v2, v2  }
0x2a1: {  	[tilespmem:s23+$0xFFFFFF90] =	vst v3;
	v2, _, _ =	vpop (xrf1);
	(xrf1) =	vsort.ascd.msk.f32 $0xffff, v1, v1  }
0x2a2: {  	[tilespmem:s23+$0xFFFFFFA0] =	vst v2;
	v1, _, _ =	vpop (xrf1)  }
0x2a3: {  	[tilespmem:s23+$0xFFFFFFB0] =	vst v1;
	v1, _, _ =	vpop (xrf1)  }
0x2a4: {  	[tilespmem:s23+$0xFFFFFFC0] =	vst v1;
	v1, _, _ =	vpop (xrf1)  }
0x2a5: {  	[tilespmem:s23+$0xFFFFFFD0] =	vst v1;
	v1, _, _ =	vpop (xrf1)  }
0x2a6: {  	[tilespmem:s23+$0xFFFFFFE0] =	vst v1;
	v1, _, _ =	vpop (xrf1)  }
0x2a7: {  	[tilespmem:s23+$0xFFFFFFF0] =	vst v1;
	v1, _, _ =	vpop (xrf1)  }
0x2a8: {  	[tilespmem:s23+$0x0] =	vst v1;
	v1, _, _ =	vpop (xrf1)  }
0x2a9: {  	[tilespmem:s23+$0x10] =	vst v1;
	v1, _, _ =	vpop (xrf1)  }
0x2aa: {  	[tilespmem:s23+$0x20] =	vst v1;
	v1, _, _ =	vpop (xrf1)  }
0x2ab: {  	s24 =	sadd.s32 s22, s7;
	[tilespmem:s23+$0x30] =	vst v1;
	v1, _, _ =	vpop (xrf1)  }
0x2ac: {  	s24 =	sshll.u32 s24, $0xA;
	[tilespmem:s23+$0x40] =	vst v1;
	v1, _, _ =	vpop (xrf1)  }
0x2ad: {  	s22 =	sadd.s32 @!p0 s22, s12;
	s24 =	sadd.s32 s5, s24;
	[tilespmem:s23+$0x50] =	vst v1;
	v1, _, _ =	vpop (xrf1)  }
0x2ae: {  	s22 =	sshll.u32 @!p0 s22, $0xA;
	s24 =	sadd.s32 $0x4000, s24;
	[tilespmem:s23+$0x60] =	vst v1;
	v1, _, _ =	vpop (xrf1)  }
0x2af: {  	s22 =	sadd.s32 @!p0 s5, s22;
	s24 =	sshrl.u32 s24, $0x3;
	[tilespmem:s23+$0x70] =	vst v1;
	v1, _, _ =	vpop (xrf1)  }
0x2b0: {  	p1 =	sne.s32 @!p0 s21, $0x4;
	s22 =	sshrl.u32 @!p0 s22, $0x3;
	s31 =	sadd.s32 s3, s24;
	[tilespmem:s23+$0xE0] =	vst v1  }
0x2b1: {  	[hbm4b:s31+s4] =	stream.linear.scatter [tilespmem:s17], [sflag:$0x4], $0x4000, $0x38;
	[tilespmem:$0x10000] =	vst v63  }
0x2b2: {  	s22 =	sadd.s32 @!p0 s2, s22;
	s24 =	simm.s32 @!p0 $0x4000;
	s23 =	simm.s32 @!p0 $0x0  }
0x2b3: {  	[tilespmem:s24], [sflag:$0x2] =	stream.linear.gather @!p0 [hbm4b:s22+s23], $0x4000, $0x38;
	[tilespmem:$0x10000] =	vst v63  }
0x2b4: {  	p0 =	por p0, !p1  }
.Ltmp2:
0x2b5: {  	_ = 	snop;
	(pc) =	sbr.rel @!p0 .LBB2_2-.Ltmp2, $1  }
0x2b6: {  	_ =	sdelay $0x3  }
0x2b7: {  	s20 =	sadd.s32 $0x1, s20  }
0x2b8: {  	_ =	swait.ge [sflag:s18], $0x4000;
	p0 =	sne.s32 s20, s13  }
.Ltmp3:
0x2b9: {  	[sflag:s18] =	ssyncset.done $0x0;
	(pc) =	sbr.rel @p0 .LBB2_1-.Ltmp3, $4  }
0x2ba: {  	[sflag:s18] =	ssyncadd.s32 $0xFFFFC000  }
0x2bb: {  	_ =	swait.ge [sflag:s19], $0x4000  }
0x2bc: {  	[sflag:s19] =	ssyncset.done $0x0  }
0x2bd: {  	[sflag:s19] =	ssyncadd.s32 $0xFFFFC000  }
0x2be: {  	_ =	sfence.sel $0x180000  }
0x2bf: {  	[bflag:$0x0] =	sbarrier.arrive $0xFFFF  }
0x2c0: {  	p0 =	sne.s32 s0, $0x0;
	_ =	strace $0x90000047  }
0x2c1: {  	s0 =	sadd.s32 @!p0 $0x100000, s1;
	[bflag:$0x2] =	sbarrier.arrive $0xFFFF  }
0x2c2: {  	[sflag:s0] =	ssyncadd.tile.s32 @!p0 $0x1;
	_ =	shalt  }
.Lfunc_end2:
_tile_overlayer_lowered:
.L_overlay_start_2:
0x2c3: {  	(tag) =	ssettag $0x2  }
0x2c4: {  	s0 =	rddreg [dreg:$0x0];
	s2 =	stileid.u32  }
0x2c5: {  	s1 =	rddreg [dreg:$0x1];
	p0 =	sne.s32 s2, $0x0  }
0x2c6: {  	s3 =	rddreg [dreg:$0x2];
	[bflag:$0x3] =	sbarrier.arrive $0xFFFF;
	s2 =	simm.s32 @!p0 $0x1C05  }
0x2c7: {  	[timem:s3], [sflag:s2] =	dma.local @!p0 [hbm:s0], s1  }
0x2c8: {  	s0 =	simm.s32 @!p0 $0x5  }
0x2c9: {  	_ =	swait.ge @!p0 [sflag:s0], s1  }
0x2ca: {  	s1 =	ssub.s32 @!p0 $0x0, s1;
	[sflag:s0] =	ssyncset.done @!p0 $0x0  }
0x2cb: {  	[sflag:s0] =	ssyncadd.s32 @!p0 s1  }
0x2cc: {  	[bflag:$0x3] =	sbarrier.arrive $0xFFFF  }
0x2cd: {  	_ =	shalt  }

</sc_bundles>
